<compile_context>
chip_gen: v7x
topology: tpu7x:2x2x1
jax: 0.10.2.dev20260603
libtpu: 0.0.44.dev20260713+nightly
codegen_flags: <defaults>
</compile_context>

<pallas_src>
import functools

import jax
import jax.numpy as jnp
from jax import lax
from jax.experimental import pallas as pl
from jax.experimental.pallas import tpu as pltpu
from jax.experimental.pallas import tpu_sc as plsc

NC = 2
NS = 16
L = 16
NW = NC * NS
CH = 128
CHE = CH
R = 1024



def _deg_call(dst2d, n_acc):
  n_chunks = dst2d.shape[0] // NW
  sl = n_acc // NS
  mesh = plsc.VectorSubcoreMesh(core_axis_name="c", subcore_axis_name="s")

  @functools.partial(
      pl.kernel,
      out_type=jax.ShapeDtypeStruct((NC * n_acc,), jnp.float32),
      mesh=mesh,
      scratch_types=[
          pltpu.VMEM((n_chunks, CHE), jnp.int32),
          pltpu.VMEM((CHE,), jnp.float32),
          pltpu.VMEM((n_acc,), jnp.float32),
          pltpu.VMEM_SHARED((n_acc,), jnp.float32),
      ],
  )
  def deg_kernel(dst_hbm, out_hbm, didx, onesb, bounce, accum):
    c = lax.axis_index("c")
    s = lax.axis_index("s")
    base = (c * NS + s) * n_chunks
    pltpu.sync_copy(dst_hbm.at[pl.ds(base, n_chunks)], didx)

    def fill(i, carry):
      bounce[pl.ds(i * L, L)] = jnp.zeros((L,), jnp.float32)
      return carry

    lax.fori_loop(0, n_acc // L, fill, 0)

    def fill1(i, carry):
      onesb[pl.ds(i * L, L)] = jnp.ones((L,), jnp.float32)
      return carry

    lax.fori_loop(0, CHE // L, fill1, 0)
    pltpu.sync_copy(bounce.at[pl.ds(0, sl)], accum.at[pl.ds(s * sl, sl)])
    plsc.subcore_barrier()

    def chunk_body(j, carry):
      pltpu.sync_copy(onesb, accum.at[didx.at[j]], add=True)
      return carry

    lax.fori_loop(0, n_chunks, chunk_body, 0)
    plsc.subcore_barrier()

    @pl.when(s == 0)
    def _out():
      pltpu.sync_copy(accum, bounce)
      pltpu.sync_copy(bounce, out_hbm.at[pl.ds(c * n_acc, n_acc)])

  return deg_kernel(dst2d).reshape(NC, n_acc)


def _edge_pipeline(hp_hbm, accum, sidx, didx, bufs, gsems, ssems, nchunks):
  buf_a, buf_b = bufs[0], bufs[1]
  g_a, g_b = gsems[0], gsems[1]
  s_a, s_b = ssems[0], ssems[1]
  nt = nchunks // 2

  def pair(t, carry):
    j = 2 * t
    pltpu.make_async_copy(hp_hbm.at[sidx.at[j]], buf_a, g_a).wait()

    @pl.when(t > 0)
    def _wait_b():
      pltpu.make_async_copy(buf_b, accum.at[didx.at[0]], s_b).wait()

    pltpu.async_copy(hp_hbm.at[sidx.at[j + 1]], buf_b, g_b)
    pltpu.async_copy(buf_a, accum.at[didx.at[j]], s_a, add=True)
    pltpu.make_async_copy(hp_hbm.at[sidx.at[j + 1]], buf_b, g_b).wait()
    pltpu.make_async_copy(buf_a, accum.at[didx.at[0]], s_a).wait()

    @pl.when(t + 1 < nt)
    def _next_a():
      pltpu.async_copy(hp_hbm.at[sidx.at[j + 2]], buf_a, g_a)

    pltpu.async_copy(buf_b, accum.at[didx.at[j + 1]], s_b, add=True)
    return carry

  pltpu.async_copy(hp_hbm.at[sidx.at[0]], buf_a, g_a)
  lax.fori_loop(0, nt, pair, 0)
  pltpu.make_async_copy(buf_b, accum.at[didx.at[0]], s_b).wait()


def _agg_edge_split(hp, src2d, dst2d, n):
  row = hp.shape[1:]
  n_chunks = src2d.shape[0] // NW
  rows_per_tec = n // NS
  slab = CH
  ib = 40
  mesh = plsc.VectorSubcoreMesh(core_axis_name="c", subcore_axis_name="s")

  @functools.partial(
      pl.kernel,
      out_type=jax.ShapeDtypeStruct((NC * n,) + row, hp.dtype),
      mesh=mesh,
      compiler_params=pltpu.CompilerParams(use_tc_tiling_on_sc=False),
      scratch_types=[
          pltpu.VMEM((ib, CH), jnp.int32),
          pltpu.VMEM((ib, CH), jnp.int32),
          [pltpu.VMEM((CH,) + row, hp.dtype)] * 2,
          pltpu.VMEM_SHARED((n,) + row, hp.dtype),
          [pltpu.SemaphoreType.DMA] * 2,
          [pltpu.SemaphoreType.DMA] * 2,
      ],
  )
  def agg_kernel(hp_hbm, src_hbm, dst_hbm, out_hbm, sidx, didx, bufs,
                 accum, gsems, ssems):
    c = lax.axis_index("c")
    s = lax.axis_index("s")
    cn = c * n
    base = s * rows_per_tec
    cnv = jnp.full((L,), 1, jnp.int32) * cn

    def init_slab(k, carry):
      off = base + k * slab
      pltpu.sync_copy(hp_hbm.at[pl.ds(cn + off, slab)], bufs[0])
      pltpu.sync_copy(bufs[0], accum.at[pl.ds(off, slab)])
      return carry

    lax.fori_loop(0, rows_per_tec // slab, init_slab, 0)
    plsc.subcore_barrier()

    def blk_body(t, carry):
      boff = (c * NS + s) * n_chunks + t * ib
      pltpu.sync_copy(src_hbm.at[pl.ds(boff, ib)], sidx)
      pltpu.sync_copy(dst_hbm.at[pl.ds(boff, ib)], didx)

      def adj_chunk(j, carry2):
        def adj_lane(k, carry3):
          sidx[j, pl.ds(k * L, L)] = sidx[j, pl.ds(k * L, L)] + cnv
          return carry3

        lax.fori_loop(0, CH // L, adj_lane, 0)
        return carry2

      lax.fori_loop(0, ib, adj_chunk, 0)
      _edge_pipeline(hp_hbm, accum, sidx, didx, bufs, gsems, ssems, ib)
      return carry

    lax.fori_loop(0, n_chunks // ib, blk_body, 0)
    plsc.subcore_barrier()

    def out_slab(k, carry):
      off = base + k * slab
      pltpu.sync_copy(accum.at[pl.ds(off, slab)], bufs[0])
      pltpu.sync_copy(bufs[0], out_hbm.at[pl.ds(c * n + off, slab)])
      return carry

    lax.fori_loop(0, rows_per_tec // slab, out_slab, 0)

  return agg_kernel(hp, src2d, dst2d)



def _dis_col(dp):
  ones = jnp.ones((dp.shape[0], 1), jnp.float32)
  deg = lax.dot_general(dp, ones, (((0,), (0,)), ((), ()))) + 1.0
  return lax.rsqrt(deg)


def _tc_pre(x, w1, degp):
  n, d_in = x.shape
  grid = n // R

  def body(x_ref, w_ref, dp_ref, out_ref):
    dis = _dis_col(dp_ref[...])
    h = jnp.dot(x_ref[...], w_ref[...])
    hp = (h * dis).astype(jnp.bfloat16)
    out_ref[0] = hp
    out_ref[1] = hp

  return pl.pallas_call(
      body,
      grid=(grid,),
      in_specs=[
          pl.BlockSpec((R, d_in), lambda i: (i, 0)),
          pl.BlockSpec(w1.shape, lambda i: (0, 0)),
          pl.BlockSpec((NC, R), lambda i: (0, i)),
      ],
      out_specs=pl.BlockSpec((2, R, 256), lambda i: (0, i, 0)),
      out_shape=jax.ShapeDtypeStruct((2, n, 256), jnp.bfloat16),
  )(x, w1, degp)


def _tc_mid(a1, hp1, degp, w2, b1r):
  n = a1.shape[1]
  grid = n // R

  def body(a_ref, hp_ref, dp_ref, w_ref, b_ref, out_ref):
    dis = _dis_col(dp_ref[...])
    a = (a_ref[0].astype(jnp.float32) + a_ref[1].astype(jnp.float32)
         - hp_ref[0].astype(jnp.float32))
    hin = jnp.maximum(a * dis + b_ref[...], 0.0)
    h2 = (jnp.dot(hin[:, :128], w_ref[:128, :])
          + jnp.dot(hin[:, 128:], w_ref[128:, :]))
    hp2 = h2 * dis
    out_ref[0] = hp2
    out_ref[1] = hp2

  return pl.pallas_call(
      body,
      grid=(grid,),
      in_specs=[
          pl.BlockSpec((2, R, 256), lambda i: (0, i, 0)),
          pl.BlockSpec((1, R, 256), lambda i: (0, i, 0)),
          pl.BlockSpec((NC, R), lambda i: (0, i)),
          pl.BlockSpec(w2.shape, lambda i: (0, 0)),
          pl.BlockSpec(b1r.shape, lambda i: (0, 0)),
      ],
      out_specs=pl.BlockSpec((2, R, 128), lambda i: (0, i, 0)),
      out_shape=jax.ShapeDtypeStruct((2, n, 128), jnp.float32),
  )(a1, hp1, degp, w2, b1r)


def _tc_final(a2, hp2, degp, b2r, batch3, wl1p, bl1p, wl2p, bl2p, num_graphs):
  n = a2.shape[1]
  grid = n // R
  g = num_graphs

  def body(a_ref, hp_ref, dp_ref, b_ref, bat_ref, w1_ref, c1_ref, w2_ref,
           c2_ref, out_ref, psum, pcnt):
    i = pl.program_id(0)

    @pl.when(i == 0)
    def _init():
      psum[...] = jnp.zeros_like(psum)
      pcnt[...] = jnp.zeros_like(pcnt)

    dis = _dis_col(dp_ref[...])
    a = a_ref[0] + a_ref[1] - hp_ref[0]
    h3 = jnp.maximum(a * dis + b_ref[...], 0.0)

    seg = bat_ref[0]
    gids = lax.broadcasted_iota(jnp.int32, (g, 1), 0)
    oh = (seg == gids).astype(jnp.float32)
    dn = (((1,), (0,)), ((), ()))
    psum[...] += lax.dot_general(oh, h3, dn)
    pcnt[...] += lax.dot_general(oh, jnp.ones((R, 128), jnp.float32), dn)

    @pl.when(i == grid - 1)
    def _finish():
      gm = psum[...] / jnp.maximum(pcnt[...], 1.0)
      t = jnp.maximum(jnp.dot(gm, w1_ref[...]) + c1_ref[...], 0.0)
      z = jnp.dot(t, w2_ref[...]) + c2_ref[...]
      out_ref[...] = 1.0 / (1.0 + jnp.exp(-z))

  return pl.pallas_call(
      body,
      grid=(grid,),
      in_specs=[
          pl.BlockSpec((2, R, 128), lambda i: (0, i, 0)),
          pl.BlockSpec((1, R, 128), lambda i: (0, i, 0)),
          pl.BlockSpec((NC, R), lambda i: (0, i)),
          pl.BlockSpec(b2r.shape, lambda i: (0, 0)),
          pl.BlockSpec((1, 1, R), lambda i: (i, 0, 0)),
          pl.BlockSpec(wl1p.shape, lambda i: (0, 0)),
          pl.BlockSpec(bl1p.shape, lambda i: (0, 0)),
          pl.BlockSpec(wl2p.shape, lambda i: (0, 0)),
          pl.BlockSpec(bl2p.shape, lambda i: (0, 0)),
      ],
      out_specs=pl.BlockSpec((g, 128), lambda i: (0, 0)),
      out_shape=jax.ShapeDtypeStruct((g, 128), jnp.float32),
      scratch_shapes=[
          pltpu.VMEM((g, 128), jnp.float32),
          pltpu.VMEM((g, 128), jnp.float32),
      ],
  )(a2, hp2, degp, b2r, batch3, wl1p, bl1p, wl2p, bl2p)



def kernel(x, edge_index, batch, W1, b1, W2, b2, Wl1, bl1, Wl2, bl2):
  n0, d_in = x.shape
  e = edge_index.shape[1]
  num_graphs = 64

  n = ((n0 + R - 1) // R) * R
  x = jnp.pad(x, ((0, n - n0), (0, 0)))
  batch = jnp.pad(batch.astype(jnp.int32), (0, n - n0),
                  constant_values=num_graphs)

  ei = edge_index.astype(jnp.int32)
  src, dst = ei[0], ei[1]
  eq = NW * CH * 8
  e_pad = ((e + eq - 1) // eq) * eq
  src_p = jnp.concatenate([src, jnp.full((e_pad - e,), n0, jnp.int32)])
  dst_p = jnp.concatenate([dst, jnp.full((e_pad - e,), n0, jnp.int32)])
  src2d = src_p.reshape(-1, CHE)
  dst2d = dst_p.reshape(-1, CHE)
  n_acc = n + NS * L

  degp_full = _deg_call(dst2d, n_acc)
  degp = degp_full[:, :n]

  hp1 = _tc_pre(x, W1, degp)
  a1 = _agg_edge_split(hp1.reshape(2 * n, 2, 128), src2d, dst2d, n)
  a1 = a1.reshape(2, n, 256)

  b1r = b1.reshape(1, 256)
  hp2 = _tc_mid(a1, hp1, degp, W2, b1r)
  a2 = _agg_edge_split(hp2.reshape(2 * n, 128), src2d, dst2d, n)
  a2 = a2.reshape(2, n, 128)

  b2r = b2.reshape(1, 128)
  batch3 = batch.reshape(n // R, 1, R)
  wl1p = jnp.pad(Wl1, ((0, 0), (0, 64)))
  bl1p = jnp.pad(bl1, (0, 64)).reshape(1, 128)
  wl2p = jnp.pad(Wl2, ((0, 64), (0, 127)))
  bl2p = jnp.pad(bl2, (0, 127)).reshape(1, 128)

  outp = _tc_final(a2, hp2, degp, b2r, batch3, wl1p, bl1p, wl2p, bl2p,
                   num_graphs)
  return outp[:, :1]

# --- scband reference (transcript-rebuilt; emitter-appended) ---
"""Pipeline reference for scband-novelty-gnn-43233140801786 (READ-ONLY COPY).

The authoritative reference and input builder live on the scoring server;
editing this copy changes nothing except your own understanding.
"""

import jax, jax.numpy as jnp
import numpy as np

NUM_NODES = 10000
NUM_EDGES = 320000
IN_DIM = 128
NUM_GRAPHS = 64


def setup_inputs(seed: int = 0) -> dict:
    key = jax.random.key(seed)
    ks = jax.random.split(key, 12)
    x = jax.random.normal(ks[0], (NUM_NODES, IN_DIM), dtype=jnp.float32)
    edge_index = jax.random.randint(ks[1], (2, NUM_EDGES), 0, NUM_NODES, dtype=jnp.int64)
    batch = jnp.sort(jax.random.randint(ks[2], (NUM_NODES,), 0, NUM_GRAPHS, dtype=jnp.int64))
    # GCNConv1: 128 -> 256
    W1 = jax.random.normal(ks[3], (IN_DIM, 256), dtype=jnp.float32) * (1.0 / np.sqrt(IN_DIM))
    b1 = jnp.zeros((256,), dtype=jnp.float32)
    # GCNConv2: 256 -> 128
    W2 = jax.random.normal(ks[4], (256, 128), dtype=jnp.float32) * (1.0 / np.sqrt(256))
    b2 = jnp.zeros((128,), dtype=jnp.float32)
    # Linear 128 -> 64
    Wl1 = jax.random.normal(ks[5], (128, 64), dtype=jnp.float32) * (1.0 / np.sqrt(128))
    bl1 = jnp.zeros((64,), dtype=jnp.float32)
    # Linear 64 -> 1
    Wl2 = jax.random.normal(ks[6], (64, 1), dtype=jnp.float32) * (1.0 / np.sqrt(64))
    bl2 = jnp.zeros((1,), dtype=jnp.float32)
    return {"x": x, "edge_index": edge_index, "batch": batch,
            "W1": W1, "b1": b1, "W2": W2, "b2": b2,
            "Wl1": Wl1, "bl1": bl1, "Wl2": Wl2, "bl2": bl2}


def _gcn_conv(x, edge_index, W, b):
    # PyG-style GCNConv: add self-loops, symmetric normalization, then X @ W aggregated
    N = x.shape[0]
    loop = jnp.arange(N, dtype=edge_index.dtype)
    src = jnp.concatenate([edge_index[0], loop])
    dst = jnp.concatenate([edge_index[1], loop])
    deg = jnp.zeros((N,), dtype=x.dtype).at[dst].add(1.0)
    dis = jnp.where(deg > 0, 1.0 / jnp.sqrt(deg), 0.0)
    norm = dis[src] * dis[dst]
    h = x @ W
    msg = h[src] * norm[:, None]
    out = jnp.zeros((N, W.shape[1]), dtype=x.dtype).at[dst].add(msg)
    return out + b


def _global_mean_pool(x, batch, num_graphs):
    s = jax.ops.segment_sum(x, batch, num_segments=num_graphs)
    cnt = jax.ops.segment_sum(jnp.ones((x.shape[0],), dtype=x.dtype), batch, num_segments=num_graphs)
    return s / jnp.maximum(cnt, 1.0)[:, None]


def reference(x, edge_index, batch, W1, b1, W2, b2, Wl1, bl1, Wl2, bl2):
    h = jax.nn.relu(_gcn_conv(x, edge_index, W1, b1))
    # dropout is identity in eval mode
    h = jax.nn.relu(_gcn_conv(h, edge_index, W2, b2))
    g = _global_mean_pool(h, batch, NUM_GRAPHS)
    g = jax.nn.relu(g @ Wl1 + bl1)
    out = jax.nn.sigmoid(g @ Wl2 + bl2)
    return out

if __name__ == "__main__":
    import jax
    _d = setup_inputs()
    print(jax.jit(kernel)(*tuple(_d.values())))

</pallas_src>

<mosaic_0001>
#map = affine_map<(d0, d1) -> (0, 0)>
#map1 = affine_map<(d0, d1) -> (0)>
module attributes {stable_mosaic.version = 14 : i64} {
  func.func @deg_kernel(%arg0: i32, %arg1: i32, %arg2: memref<2560x128xi32, #tpu.memory_space<hbm>>, %arg3: memref<20992xf32, #tpu.memory_space<hbm>>, %arg4: memref<80x128xi32, #tpu.memory_space<vmem>>, %arg5: memref<128xf32, #tpu.memory_space<vmem>>, %arg6: memref<10496xf32, #tpu.memory_space<vmem>>, %arg7: memref<10496xf32, #tpu.memory_space<vmem_shared>>) attributes {dimension_semantics = [#tpu.dimension_semantics<core_parallel>, #tpu.dimension_semantics<subcore_parallel>], iteration_bounds = array<i64: 2, 16>, scalar_prefetch = 0 : i64, scratch_operands = 4 : i64, tpu.core_type = #tpu.core_type<sc_vector_subcore>, window_params = [{transform_indices = #map}, {transform_indices = #map1}]} {
    %mul3A = arith.constant 16 : i32
    %mul3A_0 = arith.muli %arg0, %mul3A : i32
    %add3A = arith.addi %mul3A_0, %arg1 : i32
    %mul3A_1 = arith.constant 80 : i32
    %mul3A_2 = arith.muli %add3A, %mul3A_1 : i32
    "tpu.region"() ({
      %run_scoped3A = tpu.sem_alloc : memref<!tpu.dma_semaphore, #tpu.memory_space<semaphore_mem>>
      %dma_start3A = arith.constant 0 : i32
      %dma_start3A_25 = tpu.memref_slice %arg2[%mul3A_2, %dma_start3A] : memref<2560x128xi32, #tpu.memory_space<hbm>> -> memref<80x128xi32, #tpu.memory_space<hbm>>
      %dma_start3A_26 = arith.constant 0 : i32
      %dma_start3A_27 = tpu.memref_slice %arg2[%mul3A_2, %dma_start3A_26] : memref<2560x128xi32, #tpu.memory_space<hbm>> -> memref<80x128xi32, #tpu.memory_space<hbm>>
      tpu.enqueue_dma source(%dma_start3A_27 : memref<80x128xi32, #tpu.memory_space<hbm>>) target(%arg4 : memref<80x128xi32, #tpu.memory_space<vmem>>) target_semaphore(%run_scoped3A : memref<!tpu.dma_semaphore, #tpu.memory_space<semaphore_mem>>)
      %dma_wait3A = arith.constant 0 : i32
      %dma_wait3A_28 = tpu.memref_slice %arg2[%mul3A_2, %dma_wait3A] : memref<2560x128xi32, #tpu.memory_space<hbm>> -> memref<80x128xi32, #tpu.memory_space<hbm>>
      %dma_wait3A_29 = arith.constant 0 : i32
      %dma_wait3A_30 = tpu.memref_slice %arg2[%mul3A_2, %dma_wait3A_29] : memref<2560x128xi32, #tpu.memory_space<hbm>> -> memref<80x128xi32, #tpu.memory_space<hbm>>
      tpu.wait_dma2 semaphore(%run_scoped3A : memref<!tpu.dma_semaphore, #tpu.memory_space<semaphore_mem>>) src(%dma_wait3A_30 : memref<80x128xi32, #tpu.memory_space<hbm>>) dst(%arg4 : memref<80x128xi32, #tpu.memory_space<vmem>>)
      tpu.yield
    }) : () -> ()
    %scan3A = arith.constant 0 : i32
    %scan3A_3 = arith.constant 0 : i32
    %scan3A_4 = arith.constant 656 : i32
    %scan3A_5 = arith.addi %scan3A_3, %scan3A_4 : i32
    %scan3A_6 = arith.constant 1 : i32
    scf.for %scan3A_25 = %scan3A_3 to %scan3A_5 step %scan3A_6  : i32 {
      %broadcast_in_dim3A = arith.constant 0.000000e+00 : f32
      %broadcast_in_dim3A_26 = vector.broadcast %broadcast_in_dim3A : f32 to vector<16xf32>
      %mul3A_27 = arith.constant 16 : i32
      %mul3A_28 = arith.muli %scan3A_25, %mul3A_27 : i32
      %swap3A = arith.index_cast %mul3A_28 : i32 to index
      %swap3A_29 = tpu.vector_load %arg6[%swap3A] {strides = array<i32>} : memref<10496xf32, #tpu.memory_space<vmem>>, vector<16xf32>,
      %swap3A_30 = vector.shape_cast %swap3A_29 : vector<16xf32> to vector<16xf32>
      %swap3A_31 = vector.shape_cast %broadcast_in_dim3A_26 : vector<16xf32> to vector<16xf32>
      tpu.vector_store %arg6[%swap3A], %swap3A_31 {strides = array<i32>} : memref<10496xf32, #tpu.memory_space<vmem>>, vector<16xf32>,
    }
    %scan3A_7 = arith.constant 656 : i32
    %scan3A_8 = arith.constant 0 : i32
    %scan3A_9 = arith.constant 0 : i32
    %scan3A_10 = arith.constant 8 : i32
    %scan3A_11 = arith.addi %scan3A_9, %scan3A_10 : i32
    %scan3A_12 = arith.constant 1 : i32
    scf.for %scan3A_25 = %scan3A_9 to %scan3A_11 step %scan3A_12  : i32 {
      %broadcast_in_dim3A = arith.constant 1.000000e+00 : f32
      %broadcast_in_dim3A_26 = vector.broadcast %broadcast_in_dim3A : f32 to vector<16xf32>
      %mul3A_27 = arith.constant 16 : i32
      %mul3A_28 = arith.muli %scan3A_25, %mul3A_27 : i32
      %swap3A = arith.index_cast %mul3A_28 : i32 to index
      %swap3A_29 = tpu.vector_load %arg5[%swap3A] {strides = array<i32>} : memref<128xf32, #tpu.memory_space<vmem>>, vector<16xf32>,
      %swap3A_30 = vector.shape_cast %swap3A_29 : vector<16xf32> to vector<16xf32>
      %swap3A_31 = vector.shape_cast %broadcast_in_dim3A_26 : vector<16xf32> to vector<16xf32>
      tpu.vector_store %arg5[%swap3A], %swap3A_31 {strides = array<i32>} : memref<128xf32, #tpu.memory_space<vmem>>, vector<16xf32>,
    }
    %scan3A_13 = arith.constant 8 : i32
    %mul3A_14 = arith.constant 656 : i32
    %mul3A_15 = arith.muli %arg1, %mul3A_14 : i32
    "tpu.region"() ({
      %run_scoped3A = tpu.sem_alloc : memref<!tpu.dma_semaphore, #tpu.memory_space<semaphore_mem>>
      %dma_start3A = arith.constant 0 : i32
      %dma_start3A_25 = tpu.memref_slice %arg6[%dma_start3A] : memref<10496xf32, #tpu.memory_space<vmem>> -> memref<656xf32, #tpu.memory_space<vmem>>
      %dma_start3A_26 = tpu.memref_slice %arg7[%mul3A_15] : memref<10496xf32, #tpu.memory_space<vmem_shared>> -> memref<656xf32, #tpu.memory_space<vmem_shared>>
      %dma_start3A_27 = tpu.memref_slice %arg7[%mul3A_15] : memref<10496xf32, #tpu.memory_space<vmem_shared>> -> memref<656xf32, #tpu.memory_space<vmem_shared>>
      %dma_start3A_28 = arith.constant 0 : i32
      %dma_start3A_29 = tpu.memref_slice %arg6[%dma_start3A_28] : memref<10496xf32, #tpu.memory_space<vmem>> -> memref<656xf32, #tpu.memory_space<vmem>>
      tpu.enqueue_dma source(%dma_start3A_29 : memref<656xf32, #tpu.memory_space<vmem>>) target(%dma_start3A_27 : memref<656xf32, #tpu.memory_space<vmem_shared>>) target_semaphore(%run_scoped3A : memref<!tpu.dma_semaphore, #tpu.memory_space<semaphore_mem>>)
      %dma_wait3A = arith.constant 0 : i32
      %dma_wait3A_30 = tpu.memref_slice %arg6[%dma_wait3A] : memref<10496xf32, #tpu.memory_space<vmem>> -> memref<656xf32, #tpu.memory_space<vmem>>
      %dma_wait3A_31 = tpu.memref_slice %arg7[%mul3A_15] : memref<10496xf32, #tpu.memory_space<vmem_shared>> -> memref<656xf32, #tpu.memory_space<vmem_shared>>
      %dma_wait3A_32 = tpu.memref_slice %arg7[%mul3A_15] : memref<10496xf32, #tpu.memory_space<vmem_shared>> -> memref<656xf32, #tpu.memory_space<vmem_shared>>
      %dma_wait3A_33 = arith.constant 0 : i32
      %dma_wait3A_34 = tpu.memref_slice %arg6[%dma_wait3A_33] : memref<10496xf32, #tpu.memory_space<vmem>> -> memref<656xf32, #tpu.memory_space<vmem>>
      tpu.wait_dma2 semaphore(%run_scoped3A : memref<!tpu.dma_semaphore, #tpu.memory_space<semaphore_mem>>) src(%dma_wait3A_34 : memref<656xf32, #tpu.memory_space<vmem>>) dst(%dma_wait3A_32 : memref<656xf32, #tpu.memory_space<vmem_shared>>)
      tpu.yield
    }) : () -> ()
    %barrier3A = arith.constant 0 : index
    tpu.barrier barrier_id(%barrier3A)
    %scan3A_16 = arith.constant 0 : i32
    %scan3A_17 = arith.constant 0 : i32
    %scan3A_18 = arith.constant 80 : i32
    %scan3A_19 = arith.addi %scan3A_17, %scan3A_18 : i32
    %scan3A_20 = arith.constant 1 : i32
    scf.for %scan3A_25 = %scan3A_17 to %scan3A_19 step %scan3A_20  : i32 {
      "tpu.region"() ({
        %run_scoped3A = tpu.sem_alloc : memref<!tpu.dma_semaphore, #tpu.memory_space<semaphore_mem>>
        %dma_start3A = arith.constant 0 : i32
        %dma_start3A_26 = tpu.memref_slice %arg4[%scan3A_25, %dma_start3A] : memref<80x128xi32, #tpu.memory_space<vmem>> -> memref<1x128xi32, #tpu.memory_space<vmem>>
        %dma_start3A_27 = tpu.memref_squeeze %dma_start3A_26 : memref<1x128xi32, #tpu.memory_space<vmem>> -> memref<128xi32, #tpu.memory_space<vmem>>
        %dma_start3A_28 = arith.constant 0 : i32
        %dma_start3A_29 = tpu.memref_slice %arg7[%dma_start3A_28] : memref<10496xf32, #tpu.memory_space<vmem_shared>> -> memref<10496xf32, #tpu.memory_space<vmem_shared>>
        tpu.enqueue_indirect_dma source(%arg5 : memref<128xf32, #tpu.memory_space<vmem>>) target(%dma_start3A_29 : memref<10496xf32, #tpu.memory_space<vmem_shared>>) offsets(%dma_start3A_27 : memref<128xi32, #tpu.memory_space<vmem>>) semaphore(%run_scoped3A : memref<!tpu.dma_semaphore, #tpu.memory_space<semaphore_mem>>) {add = true}
        %dma_wait3A = arith.constant 0 : i32
        %dma_wait3A_30 = tpu.memref_slice %arg4[%scan3A_25, %dma_wait3A] : memref<80x128xi32, #tpu.memory_space<vmem>> -> memref<1x128xi32, #tpu.memory_space<vmem>>
        %dma_wait3A_31 = tpu.memref_squeeze %dma_wait3A_30 : memref<1x128xi32, #tpu.memory_space<vmem>> -> memref<128xi32, #tpu.memory_space<vmem>>
        %dma_wait3A_32 = arith.constant 0 : i32
        %dma_wait3A_33 = tpu.memref_slice %arg7[%dma_wait3A_32] : memref<10496xf32, #tpu.memory_space<vmem_shared>> -> memref<10496xf32, #tpu.memory_space<vmem_shared>>
        tpu.wait_indirect_dma semaphore(%run_scoped3A : memref<!tpu.dma_semaphore, #tpu.memory_space<semaphore_mem>>) src(%arg5 : memref<128xf32, #tpu.memory_space<vmem>>) dst(%dma_wait3A_33 : memref<10496xf32, #tpu.memory_space<vmem_shared>>)
        tpu.yield
      }) : () -> ()
    }
    %scan3A_21 = arith.constant 80 : i32
    %barrier3A_22 = arith.constant 0 : index
    tpu.barrier barrier_id(%barrier3A_22)
    %eq3A = arith.constant 0 : i32
    %eq3A_23 = arith.cmpi eq, %arg1, %eq3A : i32
    %convert_element_type3A = arith.extui %eq3A_23 : i1 to i32
    %cond3A = arith.constant 0 : i32
    %cond3A_24 = arith.cmpi ne, %convert_element_type3A, %cond3A : i32
    scf.if %cond3A_24 {
      "tpu.region"() ({
        %run_scoped3A = tpu.sem_alloc : memref<!tpu.dma_semaphore, #tpu.memory_space<semaphore_mem>>
        tpu.enqueue_dma source(%arg7 : memref<10496xf32, #tpu.memory_space<vmem_shared>>) target(%arg6 : memref<10496xf32, #tpu.memory_space<vmem>>) target_semaphore(%run_scoped3A : memref<!tpu.dma_semaphore, #tpu.memory_space<semaphore_mem>>)
        tpu.wait_dma2 semaphore(%run_scoped3A : memref<!tpu.dma_semaphore, #tpu.memory_space<semaphore_mem>>) src(%arg7 : memref<10496xf32, #tpu.memory_space<vmem_shared>>) dst(%arg6 : memref<10496xf32, #tpu.memory_space<vmem>>)
        tpu.yield
      }) : () -> ()
      %mul3A_25 = arith.constant 10496 : i32
      %mul3A_26 = arith.muli %arg0, %mul3A_25 : i32
      "tpu.region"() ({
        %run_scoped3A = tpu.sem_alloc : memref<!tpu.dma_semaphore, #tpu.memory_space<semaphore_mem>>
        %dma_start3A = tpu.memref_slice %arg3[%mul3A_26] : memref<20992xf32, #tpu.memory_space<hbm>> -> memref<10496xf32, #tpu.memory_space<hbm>>
        %dma_start3A_27 = tpu.memref_slice %arg3[%mul3A_26] : memref<20992xf32, #tpu.memory_space<hbm>> -> memref<10496xf32, #tpu.memory_space<hbm>>
        tpu.enqueue_dma source(%arg6 : memref<10496xf32, #tpu.memory_space<vmem>>) target(%dma_start3A_27 : memref<10496xf32, #tpu.memory_space<hbm>>) target_semaphore(%run_scoped3A : memref<!tpu.dma_semaphore, #tpu.memory_space<semaphore_mem>>)
        %dma_wait3A = tpu.memref_slice %arg3[%mul3A_26] : memref<20992xf32, #tpu.memory_space<hbm>> -> memref<10496xf32, #tpu.memory_space<hbm>>
        %dma_wait3A_28 = tpu.memref_slice %arg3[%mul3A_26] : memref<20992xf32, #tpu.memory_space<hbm>> -> memref<10496xf32, #tpu.memory_space<hbm>>
        tpu.wait_dma2 semaphore(%run_scoped3A : memref<!tpu.dma_semaphore, #tpu.memory_space<semaphore_mem>>) src(%arg6 : memref<10496xf32, #tpu.memory_space<vmem>>) dst(%dma_wait3A_28 : memref<10496xf32, #tpu.memory_space<hbm>>)
        tpu.yield
      }) : () -> ()
    } else {
    }
    return
  }
}

#map = affine_map<(d0, d1) -> (0, 0)>
module attributes {stable_mosaic.version = 14 : i64} {
  func.func @agg_kernel(%arg0: i32, %arg1: i32, %arg2: memref<20480x128xf32, #tpu.memory_space<hbm>>, %arg3: memref<2560x128xi32, #tpu.memory_space<hbm>>, %arg4: memref<2560x128xi32, #tpu.memory_space<hbm>>, %arg5: memref<20480x128xf32, #tpu.memory_space<hbm>>, %arg6: memref<40x128xi32, #tpu.memory_space<vmem>>, %arg7: memref<40x128xi32, #tpu.memory_space<vmem>>, %arg8: memref<128x128xf32, #tpu.memory_space<vmem>>, %arg9: memref<128x128xf32, #tpu.memory_space<vmem>>, %arg10: memref<10240x128xf32, #tpu.memory_space<vmem_shared>>, %arg11: memref<!tpu.dma_semaphore, #tpu.memory_space<semaphore_mem>>, %arg12: memref<!tpu.dma_semaphore, #tpu.memory_space<semaphore_mem>>, %arg13: memref<!tpu.dma_semaphore, #tpu.memory_space<semaphore_mem>>, %arg14: memref<!tpu.dma_semaphore, #tpu.memory_space<semaphore_mem>>) attributes {dimension_semantics = [#tpu.dimension_semantics<core_parallel>, #tpu.dimension_semantics<subcore_parallel>], iteration_bounds = array<i64: 2, 16>, scalar_prefetch = 0 : i64, scratch_operands = 9 : i64, tpu.core_type = #tpu.core_type<sc_vector_subcore>, window_params = [{transform_indices = #map}, {transform_indices = #map}, {transform_indices = #map}, {transform_indices = #map}]} {
    %mul3A = arith.constant 10240 : i32
    %mul3A_0 = arith.muli %arg0, %mul3A : i32
    %mul3A_1 = arith.constant 640 : i32
    %mul3A_2 = arith.muli %arg1, %mul3A_1 : i32
    %broadcast_in_dim3A = arith.constant 1 : i32
    %broadcast_in_dim3A_3 = vector.broadcast %broadcast_in_dim3A : i32 to vector<16xi32>
    %mul3A_4 = vector.broadcast %mul3A_0 : i32 to vector<16xi32>
    %mul3A_5 = arith.muli %broadcast_in_dim3A_3, %mul3A_4 : vector<16xi32>
    %scan3A = arith.constant 0 : i32
    %scan3A_6 = arith.constant 0 : i32
    %scan3A_7 = arith.constant 5 : i32
    %scan3A_8 = arith.addi %scan3A_6, %scan3A_7 : i32
    %scan3A_9 = arith.constant 1 : i32
    scf.for %scan3A_24 = %scan3A_6 to %scan3A_8 step %scan3A_9  : i32 {
      %mul3A_25 = arith.constant 128 : i32
      %mul3A_26 = arith.muli %scan3A_24, %mul3A_25 : i32
      %add3A = arith.addi %mul3A_2, %mul3A_26 : i32
      %add3A_27 = arith.addi %mul3A_0, %add3A : i32
      "tpu.region"() ({
        %run_scoped3A = tpu.sem_alloc : memref<!tpu.dma_semaphore, #tpu.memory_space<semaphore_mem>>
        %dma_start3A = arith.constant 0 : i32
        %dma_start3A_28 = tpu.memref_slice %arg2[%add3A_27, %dma_start3A] : memref<20480x128xf32, #tpu.memory_space<hbm>> -> memref<128x128xf32, #tpu.memory_space<hbm>>
        %dma_start3A_29 = arith.constant 0 : i32
        %dma_start3A_30 = tpu.memref_slice %arg2[%add3A_27, %dma_start3A_29] : memref<20480x128xf32, #tpu.memory_space<hbm>> -> memref<128x128xf32, #tpu.memory_space<hbm>>
        tpu.enqueue_dma source(%dma_start3A_30 : memref<128x128xf32, #tpu.memory_space<hbm>>) target(%arg8 : memref<128x128xf32, #tpu.memory_space<vmem>>) target_semaphore(%run_scoped3A : memref<!tpu.dma_semaphore, #tpu.memory_space<semaphore_mem>>)
        %dma_wait3A = arith.constant 0 : i32
        %dma_wait3A_31 = tpu.memref_slice %arg2[%add3A_27, %dma_wait3A] : memref<20480x128xf32, #tpu.memory_space<hbm>> -> memref<128x128xf32, #tpu.memory_space<hbm>>
        %dma_wait3A_32 = arith.constant 0 : i32
        %dma_wait3A_33 = tpu.memref_slice %arg2[%add3A_27, %dma_wait3A_32] : memref<20480x128xf32, #tpu.memory_space<hbm>> -> memref<128x128xf32, #tpu.memory_space<hbm>>
        tpu.wait_dma2 semaphore(%run_scoped3A : memref<!tpu.dma_semaphore, #tpu.memory_space<semaphore_mem>>) src(%dma_wait3A_33 : memref<128x128xf32, #tpu.memory_space<hbm>>) dst(%arg8 : memref<128x128xf32, #tpu.memory_space<vmem>>)
        tpu.yield
      }) : () -> ()
      "tpu.region"() ({
        %run_scoped3A = tpu.sem_alloc : memref<!tpu.dma_semaphore, #tpu.memory_space<semaphore_mem>>
        %dma_start3A = arith.constant 0 : i32
        %dma_start3A_28 = tpu.memref_slice %arg10[%add3A, %dma_start3A] : memref<10240x128xf32, #tpu.memory_space<vmem_shared>> -> memref<128x128xf32, #tpu.memory_space<vmem_shared>>
        %dma_start3A_29 = arith.constant 0 : i32
        %dma_start3A_30 = tpu.memref_slice %arg10[%add3A, %dma_start3A_29] : memref<10240x128xf32, #tpu.memory_space<vmem_shared>> -> memref<128x128xf32, #tpu.memory_space<vmem_shared>>
        tpu.enqueue_dma source(%arg8 : memref<128x128xf32, #tpu.memory_space<vmem>>) target(%dma_start3A_30 : memref<128x128xf32, #tpu.memory_space<vmem_shared>>) target_semaphore(%run_scoped3A : memref<!tpu.dma_semaphore, #tpu.memory_space<semaphore_mem>>)
        %dma_wait3A = arith.constant 0 : i32
        %dma_wait3A_31 = tpu.memref_slice %arg10[%add3A, %dma_wait3A] : memref<10240x128xf32, #tpu.memory_space<vmem_shared>> -> memref<128x128xf32, #tpu.memory_space<vmem_shared>>
        %dma_wait3A_32 = arith.constant 0 : i32
        %dma_wait3A_33 = tpu.memref_slice %arg10[%add3A, %dma_wait3A_32] : memref<10240x128xf32, #tpu.memory_space<vmem_shared>> -> memref<128x128xf32, #tpu.memory_space<vmem_shared>>
        tpu.wait_dma2 semaphore(%run_scoped3A : memref<!tpu.dma_semaphore, #tpu.memory_space<semaphore_mem>>) src(%arg8 : memref<128x128xf32, #tpu.memory_space<vmem>>) dst(%dma_wait3A_33 : memref<128x128xf32, #tpu.memory_space<vmem_shared>>)
        tpu.yield
      }) : () -> ()
    }
    %scan3A_10 = arith.constant 5 : i32
    %barrier3A = arith.constant 0 : index
    tpu.barrier barrier_id(%barrier3A)
    %scan3A_11 = arith.constant 0 : i32
    %scan3A_12 = arith.constant 0 : i32
    %scan3A_13 = arith.constant 2 : i32
    %scan3A_14 = arith.addi %scan3A_12, %scan3A_13 : i32
    %scan3A_15 = arith.constant 1 : i32
    scf.for %scan3A_24 = %scan3A_12 to %scan3A_14 step %scan3A_15  : i32 {
      %mul3A_25 = arith.constant 16 : i32
      %mul3A_26 = arith.muli %arg0, %mul3A_25 : i32
      %add3A = arith.addi %mul3A_26, %arg1 : i32
      %mul3A_27 = arith.constant 80 : i32
      %mul3A_28 = arith.muli %add3A, %mul3A_27 : i32
      %mul3A_29 = arith.constant 40 : i32
      %mul3A_30 = arith.muli %scan3A_24, %mul3A_29 : i32
      %add3A_31 = arith.addi %mul3A_28, %mul3A_30 : i32
      "tpu.region"() ({
        %run_scoped3A = tpu.sem_alloc : memref<!tpu.dma_semaphore, #tpu.memory_space<semaphore_mem>>
        %dma_start3A_56 = arith.constant 0 : i32
        %dma_start3A_57 = tpu.memref_slice %arg3[%add3A_31, %dma_start3A_56] : memref<2560x128xi32, #tpu.memory_space<hbm>> -> memref<40x128xi32, #tpu.memory_space<hbm>>
        %dma_start3A_58 = arith.constant 0 : i32
        %dma_start3A_59 = tpu.memref_slice %arg3[%add3A_31, %dma_start3A_58] : memref<2560x128xi32, #tpu.memory_space<hbm>> -> memref<40x128xi32, #tpu.memory_space<hbm>>
        tpu.enqueue_dma source(%dma_start3A_59 : memref<40x128xi32, #tpu.memory_space<hbm>>) target(%arg6 : memref<40x128xi32, #tpu.memory_space<vmem>>) target_semaphore(%run_scoped3A : memref<!tpu.dma_semaphore, #tpu.memory_space<semaphore_mem>>)
        %dma_wait3A_60 = arith.constant 0 : i32
        %dma_wait3A_61 = tpu.memref_slice %arg3[%add3A_31, %dma_wait3A_60] : memref<2560x128xi32, #tpu.memory_space<hbm>> -> memref<40x128xi32, #tpu.memory_space<hbm>>
        %dma_wait3A_62 = arith.constant 0 : i32
        %dma_wait3A_63 = tpu.memref_slice %arg3[%add3A_31, %dma_wait3A_62] : memref<2560x128xi32, #tpu.memory_space<hbm>> -> memref<40x128xi32, #tpu.memory_space<hbm>>
        tpu.wait_dma2 semaphore(%run_scoped3A : memref<!tpu.dma_semaphore, #tpu.memory_space<semaphore_mem>>) src(%dma_wait3A_63 : memref<40x128xi32, #tpu.memory_space<hbm>>) dst(%arg6 : memref<40x128xi32, #tpu.memory_space<vmem>>)
        tpu.yield
      }) : () -> ()
      "tpu.region"() ({
        %run_scoped3A = tpu.sem_alloc : memref<!tpu.dma_semaphore, #tpu.memory_space<semaphore_mem>>
        %dma_start3A_56 = arith.constant 0 : i32
        %dma_start3A_57 = tpu.memref_slice %arg4[%add3A_31, %dma_start3A_56] : memref<2560x128xi32, #tpu.memory_space<hbm>> -> memref<40x128xi32, #tpu.memory_space<hbm>>
        %dma_start3A_58 = arith.constant 0 : i32
        %dma_start3A_59 = tpu.memref_slice %arg4[%add3A_31, %dma_start3A_58] : memref<2560x128xi32, #tpu.memory_space<hbm>> -> memref<40x128xi32, #tpu.memory_space<hbm>>
        tpu.enqueue_dma source(%dma_start3A_59 : memref<40x128xi32, #tpu.memory_space<hbm>>) target(%arg7 : memref<40x128xi32, #tpu.memory_space<vmem>>) target_semaphore(%run_scoped3A : memref<!tpu.dma_semaphore, #tpu.memory_space<semaphore_mem>>)
        %dma_wait3A_60 = arith.constant 0 : i32
        %dma_wait3A_61 = tpu.memref_slice %arg4[%add3A_31, %dma_wait3A_60] : memref<2560x128xi32, #tpu.memory_space<hbm>> -> memref<40x128xi32, #tpu.memory_space<hbm>>
        %dma_wait3A_62 = arith.constant 0 : i32
        %dma_wait3A_63 = tpu.memref_slice %arg4[%add3A_31, %dma_wait3A_62] : memref<2560x128xi32, #tpu.memory_space<hbm>> -> memref<40x128xi32, #tpu.memory_space<hbm>>
        tpu.wait_dma2 semaphore(%run_scoped3A : memref<!tpu.dma_semaphore, #tpu.memory_space<semaphore_mem>>) src(%dma_wait3A_63 : memref<40x128xi32, #tpu.memory_space<hbm>>) dst(%arg7 : memref<40x128xi32, #tpu.memory_space<vmem>>)
        tpu.yield
      }) : () -> ()
      %scan3A_32 = arith.constant 0 : i32
      %scan3A_33 = arith.constant 0 : i32
      %scan3A_34 = arith.constant 40 : i32
      %scan3A_35 = arith.addi %scan3A_33, %scan3A_34 : i32
      %scan3A_36 = arith.constant 1 : i32
      scf.for %scan3A_56 = %scan3A_33 to %scan3A_35 step %scan3A_36  : i32 {
        %scan3A_57 = arith.constant 0 : i32
        %scan3A_58 = arith.constant 0 : i32
        %scan3A_59 = arith.constant 8 : i32
        %scan3A_60 = arith.addi %scan3A_58, %scan3A_59 : i32
        %scan3A_61 = arith.constant 1 : i32
        scf.for %scan3A_63 = %scan3A_58 to %scan3A_60 step %scan3A_61  : i32 {
          %mul3A_64 = arith.constant 16 : i32
          %mul3A_65 = arith.muli %scan3A_63, %mul3A_64 : i32
          %get3A = arith.index_cast %scan3A_56 : i32 to index
          %get3A_66 = arith.index_cast %mul3A_65 : i32 to index
          %get3A_67 = tpu.vector_load %arg6[%get3A, %get3A_66] {strides = array<i32>} : memref<40x128xi32, #tpu.memory_space<vmem>>, vector<1x16xi32>,
          %get3A_68 = vector.shape_cast %get3A_67 : vector<1x16xi32> to vector<16xi32>
          %add3A_69 = arith.addi %get3A_68, %mul3A_5 : vector<16xi32>
          %mul3A_70 = arith.constant 16 : i32
          %mul3A_71 = arith.muli %scan3A_63, %mul3A_70 : i32
          %swap3A = arith.index_cast %scan3A_56 : i32 to index
          %swap3A_72 = arith.index_cast %mul3A_71 : i32 to index
          %swap3A_73 = tpu.vector_load %arg6[%swap3A, %swap3A_72] {strides = array<i32>} : memref<40x128xi32, #tpu.memory_space<vmem>>, vector<1x16xi32>,
          %swap3A_74 = vector.shape_cast %swap3A_73 : vector<1x16xi32> to vector<16xi32>
          %swap3A_75 = vector.shape_cast %add3A_69 : vector<16xi32> to vector<1x16xi32>
          tpu.vector_store %arg6[%swap3A, %swap3A_72], %swap3A_75 {strides = array<i32>} : memref<40x128xi32, #tpu.memory_space<vmem>>, vector<1x16xi32>,
        }
        %scan3A_62 = arith.constant 8 : i32
      }
      %scan3A_37 = arith.constant 40 : i32
      %dma_start3A = arith.constant 0 : i32
      %dma_start3A_38 = arith.constant 0 : i32
      %dma_start3A_39 = tpu.memref_slice %arg6[%dma_start3A, %dma_start3A_38] : memref<40x128xi32, #tpu.memory_space<vmem>> -> memref<1x128xi32, #tpu.memory_space<vmem>>
      %dma_start3A_40 = tpu.memref_squeeze %dma_start3A_39 : memref<1x128xi32, #tpu.memory_space<vmem>> -> memref<128xi32, #tpu.memory_space<vmem>>
      %dma_start3A_41 = arith.constant 0 : i32
      %dma_start3A_42 = arith.constant 0 : i32
      %dma_start3A_43 = tpu.memref_slice %arg2[%dma_start3A_41, %dma_start3A_42] : memref<20480x128xf32, #tpu.memory_space<hbm>> -> memref<20480x128xf32, #tpu.memory_space<hbm>>
      tpu.enqueue_indirect_dma source(%dma_start3A_43 : memref<20480x128xf32, #tpu.memory_space<hbm>>) target(%arg8 : memref<128x128xf32, #tpu.memory_space<vmem>>) offsets(%dma_start3A_40 : memref<128xi32, #tpu.memory_space<vmem>>) semaphore(%arg11 : memref<!tpu.dma_semaphore, #tpu.memory_space<semaphore_mem>>)
      %scan3A_44 = arith.constant 0 : i32
      %scan3A_45 = arith.constant 0 : i32
      %scan3A_46 = arith.constant 20 : i32
      %scan3A_47 = arith.addi %scan3A_45, %scan3A_46 : i32
      %scan3A_48 = arith.constant 1 : i32
      scf.for %scan3A_56 = %scan3A_45 to %scan3A_47 step %scan3A_48  : i32 {
        %mul3A_57 = arith.constant 2 : i32
        %mul3A_58 = arith.muli %mul3A_57, %scan3A_56 : i32
        %dma_wait3A_59 = arith.constant 0 : i32
        %dma_wait3A_60 = tpu.memref_slice %arg6[%mul3A_58, %dma_wait3A_59] : memref<40x128xi32, #tpu.memory_space<vmem>> -> memref<1x128xi32, #tpu.memory_space<vmem>>
        %dma_wait3A_61 = tpu.memref_squeeze %dma_wait3A_60 : memref<1x128xi32, #tpu.memory_space<vmem>> -> memref<128xi32, #tpu.memory_space<vmem>>
        %dma_wait3A_62 = arith.constant 0 : i32
        %dma_wait3A_63 = arith.constant 0 : i32
        %dma_wait3A_64 = tpu.memref_slice %arg2[%dma_wait3A_62, %dma_wait3A_63] : memref<20480x128xf32, #tpu.memory_space<hbm>> -> memref<20480x128xf32, #tpu.memory_space<hbm>>
        tpu.wait_indirect_dma semaphore(%arg11 : memref<!tpu.dma_semaphore, #tpu.memory_space<semaphore_mem>>) src(%dma_wait3A_64 : memref<20480x128xf32, #tpu.memory_space<hbm>>) dst(%arg8 : memref<128x128xf32, #tpu.memory_space<vmem>>)
        %gt3A = arith.constant 0 : i32
        %gt3A_65 = arith.cmpi sgt, %scan3A_56, %gt3A : i32
        %convert_element_type3A = arith.extui %gt3A_65 : i1 to i32
        %cond3A = arith.constant 0 : i32
        %cond3A_66 = arith.cmpi ne, %convert_element_type3A, %cond3A : i32
        scf.if %cond3A_66 {
          %dma_wait3A_110 = arith.constant 0 : i32
          %dma_wait3A_111 = arith.constant 0 : i32
          %dma_wait3A_112 = tpu.memref_slice %arg7[%dma_wait3A_110, %dma_wait3A_111] : memref<40x128xi32, #tpu.memory_space<vmem>> -> memref<1x128xi32, #tpu.memory_space<vmem>>
          %dma_wait3A_113 = tpu.memref_squeeze %dma_wait3A_112 : memref<1x128xi32, #tpu.memory_space<vmem>> -> memref<128xi32, #tpu.memory_space<vmem>>
          %dma_wait3A_114 = arith.constant 0 : i32
          %dma_wait3A_115 = arith.constant 0 : i32
          %dma_wait3A_116 = tpu.memref_slice %arg10[%dma_wait3A_114, %dma_wait3A_115] : memref<10240x128xf32, #tpu.memory_space<vmem_shared>> -> memref<10240x128xf32, #tpu.memory_space<vmem_shared>>
          tpu.wait_indirect_dma semaphore(%arg14 : memref<!tpu.dma_semaphore, #tpu.memory_space<semaphore_mem>>) src(%arg9 : memref<128x128xf32, #tpu.memory_space<vmem>>) dst(%dma_wait3A_116 : memref<10240x128xf32, #tpu.memory_space<vmem_shared>>)
        } else {
        }
        %add3A_67 = arith.constant 1 : i32
        %add3A_68 = arith.addi %mul3A_58, %add3A_67 : i32
        %dma_start3A_69 = arith.constant 0 : i32
        %dma_start3A_70 = tpu.memref_slice %arg6[%add3A_68, %dma_start3A_69] : memref<40x128xi32, #tpu.memory_space<vmem>> -> memref<1x128xi32, #tpu.memory_space<vmem>>
        %dma_start3A_71 = tpu.memref_squeeze %dma_start3A_70 : memref<1x128xi32, #tpu.memory_space<vmem>> -> memref<128xi32, #tpu.memory_space<vmem>>
        %dma_start3A_72 = arith.constant 0 : i32
        %dma_start3A_73 = arith.constant 0 : i32
        %dma_start3A_74 = tpu.memref_slice %arg2[%dma_start3A_72, %dma_start3A_73] : memref<20480x128xf32, #tpu.memory_space<hbm>> -> memref<20480x128xf32, #tpu.memory_space<hbm>>
        tpu.enqueue_indirect_dma source(%dma_start3A_74 : memref<20480x128xf32, #tpu.memory_space<hbm>>) target(%arg9 : memref<128x128xf32, #tpu.memory_space<vmem>>) offsets(%dma_start3A_71 : memref<128xi32, #tpu.memory_space<vmem>>) semaphore(%arg12 : memref<!tpu.dma_semaphore, #tpu.memory_space<semaphore_mem>>)
        %dma_start3A_75 = arith.constant 0 : i32
        %dma_start3A_76 = tpu.memref_slice %arg7[%mul3A_58, %dma_start3A_75] : memref<40x128xi32, #tpu.memory_space<vmem>> -> memref<1x128xi32, #tpu.memory_space<vmem>>
        %dma_start3A_77 = tpu.memref_squeeze %dma_start3A_76 : memref<1x128xi32, #tpu.memory_space<vmem>> -> memref<128xi32, #tpu.memory_space<vmem>>
        %dma_start3A_78 = arith.constant 0 : i32
        %dma_start3A_79 = arith.constant 0 : i32
        %dma_start3A_80 = tpu.memref_slice %arg10[%dma_start3A_78, %dma_start3A_79] : memref<10240x128xf32, #tpu.memory_space<vmem_shared>> -> memref<10240x128xf32, #tpu.memory_space<vmem_shared>>
        tpu.enqueue_indirect_dma source(%arg8 : memref<128x128xf32, #tpu.memory_space<vmem>>) target(%dma_start3A_80 : memref<10240x128xf32, #tpu.memory_space<vmem_shared>>) offsets(%dma_start3A_77 : memref<128xi32, #tpu.memory_space<vmem>>) semaphore(%arg13 : memref<!tpu.dma_semaphore, #tpu.memory_space<semaphore_mem>>) {add = true}
        %add3A_81 = arith.constant 1 : i32
        %add3A_82 = arith.addi %mul3A_58, %add3A_81 : i32
        %dma_wait3A_83 = arith.constant 0 : i32
        %dma_wait3A_84 = tpu.memref_slice %arg6[%add3A_82, %dma_wait3A_83] : memref<40x128xi32, #tpu.memory_space<vmem>> -> memref<1x128xi32, #tpu.memory_space<vmem>>
        %dma_wait3A_85 = tpu.memref_squeeze %dma_wait3A_84 : memref<1x128xi32, #tpu.memory_space<vmem>> -> memref<128xi32, #tpu.memory_space<vmem>>
        %dma_wait3A_86 = arith.constant 0 : i32
        %dma_wait3A_87 = arith.constant 0 : i32
        %dma_wait3A_88 = tpu.memref_slice %arg2[%dma_wait3A_86, %dma_wait3A_87] : memref<20480x128xf32, #tpu.memory_space<hbm>> -> memref<20480x128xf32, #tpu.memory_space<hbm>>
        tpu.wait_indirect_dma semaphore(%arg12 : memref<!tpu.dma_semaphore, #tpu.memory_space<semaphore_mem>>) src(%dma_wait3A_88 : memref<20480x128xf32, #tpu.memory_space<hbm>>) dst(%arg9 : memref<128x128xf32, #tpu.memory_space<vmem>>)
        %dma_wait3A_89 = arith.constant 0 : i32
        %dma_wait3A_90 = arith.constant 0 : i32
        %dma_wait3A_91 = tpu.memref_slice %arg7[%dma_wait3A_89, %dma_wait3A_90] : memref<40x128xi32, #tpu.memory_space<vmem>> -> memref<1x128xi32, #tpu.memory_space<vmem>>
        %dma_wait3A_92 = tpu.memref_squeeze %dma_wait3A_91 : memref<1x128xi32, #tpu.memory_space<vmem>> -> memref<128xi32, #tpu.memory_space<vmem>>
        %dma_wait3A_93 = arith.constant 0 : i32
        %dma_wait3A_94 = arith.constant 0 : i32
        %dma_wait3A_95 = tpu.memref_slice %arg10[%dma_wait3A_93, %dma_wait3A_94] : memref<10240x128xf32, #tpu.memory_space<vmem_shared>> -> memref<10240x128xf32, #tpu.memory_space<vmem_shared>>
        tpu.wait_indirect_dma semaphore(%arg13 : memref<!tpu.dma_semaphore, #tpu.memory_space<semaphore_mem>>) src(%arg8 : memref<128x128xf32, #tpu.memory_space<vmem>>) dst(%dma_wait3A_95 : memref<10240x128xf32, #tpu.memory_space<vmem_shared>>)
        %add3A_96 = arith.constant 1 : i32
        %add3A_97 = arith.addi %scan3A_56, %add3A_96 : i32
        %lt3A = arith.constant 20 : i32
        %lt3A_98 = arith.cmpi slt, %add3A_97, %lt3A : i32
        %convert_element_type3A_99 = arith.extui %lt3A_98 : i1 to i32
        %cond3A_100 = arith.constant 0 : i32
        %cond3A_101 = arith.cmpi ne, %convert_element_type3A_99, %cond3A_100 : i32
        scf.if %cond3A_101 {
          %add3A_110 = arith.constant 2 : i32
          %add3A_111 = arith.addi %mul3A_58, %add3A_110 : i32
          %dma_start3A_112 = arith.constant 0 : i32
          %dma_start3A_113 = tpu.memref_slice %arg6[%add3A_111, %dma_start3A_112] : memref<40x128xi32, #tpu.memory_space<vmem>> -> memref<1x128xi32, #tpu.memory_space<vmem>>
          %dma_start3A_114 = tpu.memref_squeeze %dma_start3A_113 : memref<1x128xi32, #tpu.memory_space<vmem>> -> memref<128xi32, #tpu.memory_space<vmem>>
          %dma_start3A_115 = arith.constant 0 : i32
          %dma_start3A_116 = arith.constant 0 : i32
          %dma_start3A_117 = tpu.memref_slice %arg2[%dma_start3A_115, %dma_start3A_116] : memref<20480x128xf32, #tpu.memory_space<hbm>> -> memref<20480x128xf32, #tpu.memory_space<hbm>>
          tpu.enqueue_indirect_dma source(%dma_start3A_117 : memref<20480x128xf32, #tpu.memory_space<hbm>>) target(%arg8 : memref<128x128xf32, #tpu.memory_space<vmem>>) offsets(%dma_start3A_114 : memref<128xi32, #tpu.memory_space<vmem>>) semaphore(%arg11 : memref<!tpu.dma_semaphore, #tpu.memory_space<semaphore_mem>>)
        } else {
        }
        %add3A_102 = arith.constant 1 : i32
        %add3A_103 = arith.addi %mul3A_58, %add3A_102 : i32
        %dma_start3A_104 = arith.constant 0 : i32
        %dma_start3A_105 = tpu.memref_slice %arg7[%add3A_103, %dma_start3A_104] : memref<40x128xi32, #tpu.memory_space<vmem>> -> memref<1x128xi32, #tpu.memory_space<vmem>>
        %dma_start3A_106 = tpu.memref_squeeze %dma_start3A_105 : memref<1x128xi32, #tpu.memory_space<vmem>> -> memref<128xi32, #tpu.memory_space<vmem>>
        %dma_start3A_107 = arith.constant 0 : i32
        %dma_start3A_108 = arith.constant 0 : i32
        %dma_start3A_109 = tpu.memref_slice %arg10[%dma_start3A_107, %dma_start3A_108] : memref<10240x128xf32, #tpu.memory_space<vmem_shared>> -> memref<10240x128xf32, #tpu.memory_space<vmem_shared>>
        tpu.enqueue_indirect_dma source(%arg9 : memref<128x128xf32, #tpu.memory_space<vmem>>) target(%dma_start3A_109 : memref<10240x128xf32, #tpu.memory_space<vmem_shared>>) offsets(%dma_start3A_106 : memref<128xi32, #tpu.memory_space<vmem>>) semaphore(%arg14 : memref<!tpu.dma_semaphore, #tpu.memory_space<semaphore_mem>>) {add = true}
      }
      %scan3A_49 = arith.constant 20 : i32
      %dma_wait3A = arith.constant 0 : i32
      %dma_wait3A_50 = arith.constant 0 : i32
      %dma_wait3A_51 = tpu.memref_slice %arg7[%dma_wait3A, %dma_wait3A_50] : memref<40x128xi32, #tpu.memory_space<vmem>> -> memref<1x128xi32, #tpu.memory_space<vmem>>
      %dma_wait3A_52 = tpu.memref_squeeze %dma_wait3A_51 : memref<1x128xi32, #tpu.memory_space<vmem>> -> memref<128xi32, #tpu.memory_space<vmem>>
      %dma_wait3A_53 = arith.constant 0 : i32
      %dma_wait3A_54 = arith.constant 0 : i32
      %dma_wait3A_55 = tpu.memref_slice %arg10[%dma_wait3A_53, %dma_wait3A_54] : memref<10240x128xf32, #tpu.memory_space<vmem_shared>> -> memref<10240x128xf32, #tpu.memory_space<vmem_shared>>
      tpu.wait_indirect_dma semaphore(%arg14 : memref<!tpu.dma_semaphore, #tpu.memory_space<semaphore_mem>>) src(%arg9 : memref<128x128xf32, #tpu.memory_space<vmem>>) dst(%dma_wait3A_55 : memref<10240x128xf32, #tpu.memory_space<vmem_shared>>)
    }
    %scan3A_16 = arith.constant 2 : i32
    %barrier3A_17 = arith.constant 0 : index
    tpu.barrier barrier_id(%barrier3A_17)
    %scan3A_18 = arith.constant 0 : i32
    %scan3A_19 = arith.constant 0 : i32
    %scan3A_20 = arith.constant 5 : i32
    %scan3A_21 = arith.addi %scan3A_19, %scan3A_20 : i32
    %scan3A_22 = arith.constant 1 : i32
    scf.for %scan3A_24 = %scan3A_19 to %scan3A_21 step %scan3A_22  : i32 {
      %mul3A_25 = arith.constant 128 : i32
      %mul3A_26 = arith.muli %scan3A_24, %mul3A_25 : i32
      %add3A = arith.addi %mul3A_2, %mul3A_26 : i32
      "tpu.region"() ({
        %run_scoped3A = tpu.sem_alloc : memref<!tpu.dma_semaphore, #tpu.memory_space<semaphore_mem>>
        %dma_start3A = arith.constant 0 : i32
        %dma_start3A_30 = tpu.memref_slice %arg10[%add3A, %dma_start3A] : memref<10240x128xf32, #tpu.memory_space<vmem_shared>> -> memref<128x128xf32, #tpu.memory_space<vmem_shared>>
        %dma_start3A_31 = arith.constant 0 : i32
        %dma_start3A_32 = tpu.memref_slice %arg10[%add3A, %dma_start3A_31] : memref<10240x128xf32, #tpu.memory_space<vmem_shared>> -> memref<128x128xf32, #tpu.memory_space<vmem_shared>>
        tpu.enqueue_dma source(%dma_start3A_32 : memref<128x128xf32, #tpu.memory_space<vmem_shared>>) target(%arg8 : memref<128x128xf32, #tpu.memory_space<vmem>>) target_semaphore(%run_scoped3A : memref<!tpu.dma_semaphore, #tpu.memory_space<semaphore_mem>>)
        %dma_wait3A = arith.constant 0 : i32
        %dma_wait3A_33 = tpu.memref_slice %arg10[%add3A, %dma_wait3A] : memref<10240x128xf32, #tpu.memory_space<vmem_shared>> -> memref<128x128xf32, #tpu.memory_space<vmem_shared>>
        %dma_wait3A_34 = arith.constant 0 : i32
        %dma_wait3A_35 = tpu.memref_slice %arg10[%add3A, %dma_wait3A_34] : memref<10240x128xf32, #tpu.memory_space<vmem_shared>> -> memref<128x128xf32, #tpu.memory_space<vmem_shared>>
        tpu.wait_dma2 semaphore(%run_scoped3A : memref<!tpu.dma_semaphore, #tpu.memory_space<semaphore_mem>>) src(%dma_wait3A_35 : memref<128x128xf32, #tpu.memory_space<vmem_shared>>) dst(%arg8 : memref<128x128xf32, #tpu.memory_space<vmem>>)
        tpu.yield
      }) : () -> ()
      %mul3A_27 = arith.constant 10240 : i32
      %mul3A_28 = arith.muli %arg0, %mul3A_27 : i32
      %add3A_29 = arith.addi %mul3A_28, %add3A : i32
      "tpu.region"() ({
        %run_scoped3A = tpu.sem_alloc : memref<!tpu.dma_semaphore, #tpu.memory_space<semaphore_mem>>
        %dma_start3A = arith.constant 0 : i32
        %dma_start3A_30 = tpu.memref_slice %arg5[%add3A_29, %dma_start3A] : memref<20480x128xf32, #tpu.memory_space<hbm>> -> memref<128x128xf32, #tpu.memory_space<hbm>>
        %dma_start3A_31 = arith.constant 0 : i32
        %dma_start3A_32 = tpu.memref_slice %arg5[%add3A_29, %dma_start3A_31] : memref<20480x128xf32, #tpu.memory_space<hbm>> -> memref<128x128xf32, #tpu.memory_space<hbm>>
        tpu.enqueue_dma source(%arg8 : memref<128x128xf32, #tpu.memory_space<vmem>>) target(%dma_start3A_32 : memref<128x128xf32, #tpu.memory_space<hbm>>) target_semaphore(%run_scoped3A : memref<!tpu.dma_semaphore, #tpu.memory_space<semaphore_mem>>)
        %dma_wait3A = arith.constant 0 : i32
        %dma_wait3A_33 = tpu.memref_slice %arg5[%add3A_29, %dma_wait3A] : memref<20480x128xf32, #tpu.memory_space<hbm>> -> memref<128x128xf32, #tpu.memory_space<hbm>>
        %dma_wait3A_34 = arith.constant 0 : i32
        %dma_wait3A_35 = tpu.memref_slice %arg5[%add3A_29, %dma_wait3A_34] : memref<20480x128xf32, #tpu.memory_space<hbm>> -> memref<128x128xf32, #tpu.memory_space<hbm>>
        tpu.wait_dma2 semaphore(%run_scoped3A : memref<!tpu.dma_semaphore, #tpu.memory_space<semaphore_mem>>) src(%arg8 : memref<128x128xf32, #tpu.memory_space<vmem>>) dst(%dma_wait3A_35 : memref<128x128xf32, #tpu.memory_space<hbm>>)
        tpu.yield
      }) : () -> ()
    }
    %scan3A_23 = arith.constant 5 : i32
    return
  }
}

#map = affine_map<(d0, d1) -> (0, 0, 0)>
#map1 = affine_map<(d0, d1) -> (0, 0)>
module attributes {stable_mosaic.version = 14 : i64} {
  func.func @agg_kernel(%arg0: i32, %arg1: i32, %arg2: memref<20480x2x128xbf16, #tpu.memory_space<hbm>>, %arg3: memref<2560x128xi32, #tpu.memory_space<hbm>>, %arg4: memref<2560x128xi32, #tpu.memory_space<hbm>>, %arg5: memref<20480x2x128xbf16, #tpu.memory_space<hbm>>, %arg6: memref<40x128xi32, #tpu.memory_space<vmem>>, %arg7: memref<40x128xi32, #tpu.memory_space<vmem>>, %arg8: memref<128x2x128xbf16, #tpu.memory_space<vmem>>, %arg9: memref<128x2x128xbf16, #tpu.memory_space<vmem>>, %arg10: memref<10240x2x128xbf16, #tpu.memory_space<vmem_shared>>, %arg11: memref<!tpu.dma_semaphore, #tpu.memory_space<semaphore_mem>>, %arg12: memref<!tpu.dma_semaphore, #tpu.memory_space<semaphore_mem>>, %arg13: memref<!tpu.dma_semaphore, #tpu.memory_space<semaphore_mem>>, %arg14: memref<!tpu.dma_semaphore, #tpu.memory_space<semaphore_mem>>) attributes {dimension_semantics = [#tpu.dimension_semantics<core_parallel>, #tpu.dimension_semantics<subcore_parallel>], iteration_bounds = array<i64: 2, 16>, scalar_prefetch = 0 : i64, scratch_operands = 9 : i64, tpu.core_type = #tpu.core_type<sc_vector_subcore>, window_params = [{transform_indices = #map}, {transform_indices = #map1}, {transform_indices = #map1}, {transform_indices = #map}]} {
    %mul3A = arith.constant 10240 : i32
    %mul3A_0 = arith.muli %arg0, %mul3A : i32
    %mul3A_1 = arith.constant 640 : i32
    %mul3A_2 = arith.muli %arg1, %mul3A_1 : i32
    %broadcast_in_dim3A = arith.constant 1 : i32
    %broadcast_in_dim3A_3 = vector.broadcast %broadcast_in_dim3A : i32 to vector<16xi32>
    %mul3A_4 = vector.broadcast %mul3A_0 : i32 to vector<16xi32>
    %mul3A_5 = arith.muli %broadcast_in_dim3A_3, %mul3A_4 : vector<16xi32>
    %scan3A = arith.constant 0 : i32
    %scan3A_6 = arith.constant 0 : i32
    %scan3A_7 = arith.constant 5 : i32
    %scan3A_8 = arith.addi %scan3A_6, %scan3A_7 : i32
    %scan3A_9 = arith.constant 1 : i32
    scf.for %scan3A_24 = %scan3A_6 to %scan3A_8 step %scan3A_9  : i32 {
      %mul3A_25 = arith.constant 128 : i32
      %mul3A_26 = arith.muli %scan3A_24, %mul3A_25 : i32
      %add3A = arith.addi %mul3A_2, %mul3A_26 : i32
      %add3A_27 = arith.addi %mul3A_0, %add3A : i32
      "tpu.region"() ({
        %run_scoped3A = tpu.sem_alloc : memref<!tpu.dma_semaphore, #tpu.memory_space<semaphore_mem>>
        %dma_start3A = arith.constant 0 : i32
        %dma_start3A_28 = arith.constant 0 : i32
        %dma_start3A_29 = tpu.memref_slice %arg2[%add3A_27, %dma_start3A, %dma_start3A_28] : memref<20480x2x128xbf16, #tpu.memory_space<hbm>> -> memref<128x2x128xbf16, #tpu.memory_space<hbm>>
        %dma_start3A_30 = arith.constant 0 : i32
        %dma_start3A_31 = arith.constant 0 : i32
        %dma_start3A_32 = tpu.memref_slice %arg2[%add3A_27, %dma_start3A_30, %dma_start3A_31] : memref<20480x2x128xbf16, #tpu.memory_space<hbm>> -> memref<128x2x128xbf16, #tpu.memory_space<hbm>>
        tpu.enqueue_dma source(%dma_start3A_32 : memref<128x2x128xbf16, #tpu.memory_space<hbm>>) target(%arg8 : memref<128x2x128xbf16, #tpu.memory_space<vmem>>) target_semaphore(%run_scoped3A : memref<!tpu.dma_semaphore, #tpu.memory_space<semaphore_mem>>)
        %dma_wait3A = arith.constant 0 : i32
        %dma_wait3A_33 = arith.constant 0 : i32
        %dma_wait3A_34 = tpu.memref_slice %arg2[%add3A_27, %dma_wait3A, %dma_wait3A_33] : memref<20480x2x128xbf16, #tpu.memory_space<hbm>> -> memref<128x2x128xbf16, #tpu.memory_space<hbm>>
        %dma_wait3A_35 = arith.constant 0 : i32
        %dma_wait3A_36 = arith.constant 0 : i32
        %dma_wait3A_37 = tpu.memref_slice %arg2[%add3A_27, %dma_wait3A_35, %dma_wait3A_36] : memref<20480x2x128xbf16, #tpu.memory_space<hbm>> -> memref<128x2x128xbf16, #tpu.memory_space<hbm>>
        tpu.wait_dma2 semaphore(%run_scoped3A : memref<!tpu.dma_semaphore, #tpu.memory_space<semaphore_mem>>) src(%dma_wait3A_37 : memref<128x2x128xbf16, #tpu.memory_space<hbm>>) dst(%arg8 : memref<128x2x128xbf16, #tpu.memory_space<vmem>>)
        tpu.yield
      }) : () -> ()
      "tpu.region"() ({
        %run_scoped3A = tpu.sem_alloc : memref<!tpu.dma_semaphore, #tpu.memory_space<semaphore_mem>>
        %dma_start3A = arith.constant 0 : i32
        %dma_start3A_28 = arith.constant 0 : i32
        %dma_start3A_29 = tpu.memref_slice %arg10[%add3A, %dma_start3A, %dma_start3A_28] : memref<10240x2x128xbf16, #tpu.memory_space<vmem_shared>> -> memref<128x2x128xbf16, #tpu.memory_space<vmem_shared>>
        %dma_start3A_30 = arith.constant 0 : i32
        %dma_start3A_31 = arith.constant 0 : i32
        %dma_start3A_32 = tpu.memref_slice %arg10[%add3A, %dma_start3A_30, %dma_start3A_31] : memref<10240x2x128xbf16, #tpu.memory_space<vmem_shared>> -> memref<128x2x128xbf16, #tpu.memory_space<vmem_shared>>
        tpu.enqueue_dma source(%arg8 : memref<128x2x128xbf16, #tpu.memory_space<vmem>>) target(%dma_start3A_32 : memref<128x2x128xbf16, #tpu.memory_space<vmem_shared>>) target_semaphore(%run_scoped3A : memref<!tpu.dma_semaphore, #tpu.memory_space<semaphore_mem>>)
        %dma_wait3A = arith.constant 0 : i32
        %dma_wait3A_33 = arith.constant 0 : i32
        %dma_wait3A_34 = tpu.memref_slice %arg10[%add3A, %dma_wait3A, %dma_wait3A_33] : memref<10240x2x128xbf16, #tpu.memory_space<vmem_shared>> -> memref<128x2x128xbf16, #tpu.memory_space<vmem_shared>>
        %dma_wait3A_35 = arith.constant 0 : i32
        %dma_wait3A_36 = arith.constant 0 : i32
        %dma_wait3A_37 = tpu.memref_slice %arg10[%add3A, %dma_wait3A_35, %dma_wait3A_36] : memref<10240x2x128xbf16, #tpu.memory_space<vmem_shared>> -> memref<128x2x128xbf16, #tpu.memory_space<vmem_shared>>
        tpu.wait_dma2 semaphore(%run_scoped3A : memref<!tpu.dma_semaphore, #tpu.memory_space<semaphore_mem>>) src(%arg8 : memref<128x2x128xbf16, #tpu.memory_space<vmem>>) dst(%dma_wait3A_37 : memref<128x2x128xbf16, #tpu.memory_space<vmem_shared>>)
        tpu.yield
      }) : () -> ()
    }
    %scan3A_10 = arith.constant 5 : i32
    %barrier3A = arith.constant 0 : index
    tpu.barrier barrier_id(%barrier3A)
    %scan3A_11 = arith.constant 0 : i32
    %scan3A_12 = arith.constant 0 : i32
    %scan3A_13 = arith.constant 2 : i32
    %scan3A_14 = arith.addi %scan3A_12, %scan3A_13 : i32
    %scan3A_15 = arith.constant 1 : i32
    scf.for %scan3A_24 = %scan3A_12 to %scan3A_14 step %scan3A_15  : i32 {
      %mul3A_25 = arith.constant 16 : i32
      %mul3A_26 = arith.muli %arg0, %mul3A_25 : i32
      %add3A = arith.addi %mul3A_26, %arg1 : i32
      %mul3A_27 = arith.constant 80 : i32
      %mul3A_28 = arith.muli %add3A, %mul3A_27 : i32
      %mul3A_29 = arith.constant 40 : i32
      %mul3A_30 = arith.muli %scan3A_24, %mul3A_29 : i32
      %add3A_31 = arith.addi %mul3A_28, %mul3A_30 : i32
      "tpu.region"() ({
        %run_scoped3A = tpu.sem_alloc : memref<!tpu.dma_semaphore, #tpu.memory_space<semaphore_mem>>
        %dma_start3A_58 = arith.constant 0 : i32
        %dma_start3A_59 = tpu.memref_slice %arg3[%add3A_31, %dma_start3A_58] : memref<2560x128xi32, #tpu.memory_space<hbm>> -> memref<40x128xi32, #tpu.memory_space<hbm>>
        %dma_start3A_60 = arith.constant 0 : i32
        %dma_start3A_61 = tpu.memref_slice %arg3[%add3A_31, %dma_start3A_60] : memref<2560x128xi32, #tpu.memory_space<hbm>> -> memref<40x128xi32, #tpu.memory_space<hbm>>
        tpu.enqueue_dma source(%dma_start3A_61 : memref<40x128xi32, #tpu.memory_space<hbm>>) target(%arg6 : memref<40x128xi32, #tpu.memory_space<vmem>>) target_semaphore(%run_scoped3A : memref<!tpu.dma_semaphore, #tpu.memory_space<semaphore_mem>>)
        %dma_wait3A_62 = arith.constant 0 : i32
        %dma_wait3A_63 = tpu.memref_slice %arg3[%add3A_31, %dma_wait3A_62] : memref<2560x128xi32, #tpu.memory_space<hbm>> -> memref<40x128xi32, #tpu.memory_space<hbm>>
        %dma_wait3A_64 = arith.constant 0 : i32
        %dma_wait3A_65 = tpu.memref_slice %arg3[%add3A_31, %dma_wait3A_64] : memref<2560x128xi32, #tpu.memory_space<hbm>> -> memref<40x128xi32, #tpu.memory_space<hbm>>
        tpu.wait_dma2 semaphore(%run_scoped3A : memref<!tpu.dma_semaphore, #tpu.memory_space<semaphore_mem>>) src(%dma_wait3A_65 : memref<40x128xi32, #tpu.memory_space<hbm>>) dst(%arg6 : memref<40x128xi32, #tpu.memory_space<vmem>>)
        tpu.yield
      }) : () -> ()
      "tpu.region"() ({
        %run_scoped3A = tpu.sem_alloc : memref<!tpu.dma_semaphore, #tpu.memory_space<semaphore_mem>>
        %dma_start3A_58 = arith.constant 0 : i32
        %dma_start3A_59 = tpu.memref_slice %arg4[%add3A_31, %dma_start3A_58] : memref<2560x128xi32, #tpu.memory_space<hbm>> -> memref<40x128xi32, #tpu.memory_space<hbm>>
        %dma_start3A_60 = arith.constant 0 : i32
        %dma_start3A_61 = tpu.memref_slice %arg4[%add3A_31, %dma_start3A_60] : memref<2560x128xi32, #tpu.memory_space<hbm>> -> memref<40x128xi32, #tpu.memory_space<hbm>>
        tpu.enqueue_dma source(%dma_start3A_61 : memref<40x128xi32, #tpu.memory_space<hbm>>) target(%arg7 : memref<40x128xi32, #tpu.memory_space<vmem>>) target_semaphore(%run_scoped3A : memref<!tpu.dma_semaphore, #tpu.memory_space<semaphore_mem>>)
        %dma_wait3A_62 = arith.constant 0 : i32
        %dma_wait3A_63 = tpu.memref_slice %arg4[%add3A_31, %dma_wait3A_62] : memref<2560x128xi32, #tpu.memory_space<hbm>> -> memref<40x128xi32, #tpu.memory_space<hbm>>
        %dma_wait3A_64 = arith.constant 0 : i32
        %dma_wait3A_65 = tpu.memref_slice %arg4[%add3A_31, %dma_wait3A_64] : memref<2560x128xi32, #tpu.memory_space<hbm>> -> memref<40x128xi32, #tpu.memory_space<hbm>>
        tpu.wait_dma2 semaphore(%run_scoped3A : memref<!tpu.dma_semaphore, #tpu.memory_space<semaphore_mem>>) src(%dma_wait3A_65 : memref<40x128xi32, #tpu.memory_space<hbm>>) dst(%arg7 : memref<40x128xi32, #tpu.memory_space<vmem>>)
        tpu.yield
      }) : () -> ()
      %scan3A_32 = arith.constant 0 : i32
      %scan3A_33 = arith.constant 0 : i32
      %scan3A_34 = arith.constant 40 : i32
      %scan3A_35 = arith.addi %scan3A_33, %scan3A_34 : i32
      %scan3A_36 = arith.constant 1 : i32
      scf.for %scan3A_58 = %scan3A_33 to %scan3A_35 step %scan3A_36  : i32 {
        %scan3A_59 = arith.constant 0 : i32
        %scan3A_60 = arith.constant 0 : i32
        %scan3A_61 = arith.constant 8 : i32
        %scan3A_62 = arith.addi %scan3A_60, %scan3A_61 : i32
        %scan3A_63 = arith.constant 1 : i32
        scf.for %scan3A_65 = %scan3A_60 to %scan3A_62 step %scan3A_63  : i32 {
          %mul3A_66 = arith.constant 16 : i32
          %mul3A_67 = arith.muli %scan3A_65, %mul3A_66 : i32
          %get3A = arith.index_cast %scan3A_58 : i32 to index
          %get3A_68 = arith.index_cast %mul3A_67 : i32 to index
          %get3A_69 = tpu.vector_load %arg6[%get3A, %get3A_68] {strides = array<i32>} : memref<40x128xi32, #tpu.memory_space<vmem>>, vector<1x16xi32>,
          %get3A_70 = vector.shape_cast %get3A_69 : vector<1x16xi32> to vector<16xi32>
          %add3A_71 = arith.addi %get3A_70, %mul3A_5 : vector<16xi32>
          %mul3A_72 = arith.constant 16 : i32
          %mul3A_73 = arith.muli %scan3A_65, %mul3A_72 : i32
          %swap3A = arith.index_cast %scan3A_58 : i32 to index
          %swap3A_74 = arith.index_cast %mul3A_73 : i32 to index
          %swap3A_75 = tpu.vector_load %arg6[%swap3A, %swap3A_74] {strides = array<i32>} : memref<40x128xi32, #tpu.memory_space<vmem>>, vector<1x16xi32>,
          %swap3A_76 = vector.shape_cast %swap3A_75 : vector<1x16xi32> to vector<16xi32>
          %swap3A_77 = vector.shape_cast %add3A_71 : vector<16xi32> to vector<1x16xi32>
          tpu.vector_store %arg6[%swap3A, %swap3A_74], %swap3A_77 {strides = array<i32>} : memref<40x128xi32, #tpu.memory_space<vmem>>, vector<1x16xi32>,
        }
        %scan3A_64 = arith.constant 8 : i32
      }
      %scan3A_37 = arith.constant 40 : i32
      %dma_start3A = arith.constant 0 : i32
      %dma_start3A_38 = arith.constant 0 : i32
      %dma_start3A_39 = tpu.memref_slice %arg6[%dma_start3A, %dma_start3A_38] : memref<40x128xi32, #tpu.memory_space<vmem>> -> memref<1x128xi32, #tpu.memory_space<vmem>>
      %dma_start3A_40 = tpu.memref_squeeze %dma_start3A_39 : memref<1x128xi32, #tpu.memory_space<vmem>> -> memref<128xi32, #tpu.memory_space<vmem>>
      %dma_start3A_41 = arith.constant 0 : i32
      %dma_start3A_42 = arith.constant 0 : i32
      %dma_start3A_43 = arith.constant 0 : i32
      %dma_start3A_44 = tpu.memref_slice %arg2[%dma_start3A_41, %dma_start3A_42, %dma_start3A_43] : memref<20480x2x128xbf16, #tpu.memory_space<hbm>> -> memref<20480x2x128xbf16, #tpu.memory_space<hbm>>
      tpu.enqueue_indirect_dma source(%dma_start3A_44 : memref<20480x2x128xbf16, #tpu.memory_space<hbm>>) target(%arg8 : memref<128x2x128xbf16, #tpu.memory_space<vmem>>) offsets(%dma_start3A_40 : memref<128xi32, #tpu.memory_space<vmem>>) semaphore(%arg11 : memref<!tpu.dma_semaphore, #tpu.memory_space<semaphore_mem>>)
      %scan3A_45 = arith.constant 0 : i32
      %scan3A_46 = arith.constant 0 : i32
      %scan3A_47 = arith.constant 20 : i32
      %scan3A_48 = arith.addi %scan3A_46, %scan3A_47 : i32
      %scan3A_49 = arith.constant 1 : i32
      scf.for %scan3A_58 = %scan3A_46 to %scan3A_48 step %scan3A_49  : i32 {
        %mul3A_59 = arith.constant 2 : i32
        %mul3A_60 = arith.muli %mul3A_59, %scan3A_58 : i32
        %dma_wait3A_61 = arith.constant 0 : i32
        %dma_wait3A_62 = tpu.memref_slice %arg6[%mul3A_60, %dma_wait3A_61] : memref<40x128xi32, #tpu.memory_space<vmem>> -> memref<1x128xi32, #tpu.memory_space<vmem>>
        %dma_wait3A_63 = tpu.memref_squeeze %dma_wait3A_62 : memref<1x128xi32, #tpu.memory_space<vmem>> -> memref<128xi32, #tpu.memory_space<vmem>>
        %dma_wait3A_64 = arith.constant 0 : i32
        %dma_wait3A_65 = arith.constant 0 : i32
        %dma_wait3A_66 = arith.constant 0 : i32
        %dma_wait3A_67 = tpu.memref_slice %arg2[%dma_wait3A_64, %dma_wait3A_65, %dma_wait3A_66] : memref<20480x2x128xbf16, #tpu.memory_space<hbm>> -> memref<20480x2x128xbf16, #tpu.memory_space<hbm>>
        tpu.wait_indirect_dma semaphore(%arg11 : memref<!tpu.dma_semaphore, #tpu.memory_space<semaphore_mem>>) src(%dma_wait3A_67 : memref<20480x2x128xbf16, #tpu.memory_space<hbm>>) dst(%arg8 : memref<128x2x128xbf16, #tpu.memory_space<vmem>>)
        %gt3A = arith.constant 0 : i32
        %gt3A_68 = arith.cmpi sgt, %scan3A_58, %gt3A : i32
        %convert_element_type3A = arith.extui %gt3A_68 : i1 to i32
        %cond3A = arith.constant 0 : i32
        %cond3A_69 = arith.cmpi ne, %convert_element_type3A, %cond3A : i32
        scf.if %cond3A_69 {
          %dma_wait3A_118 = arith.constant 0 : i32
          %dma_wait3A_119 = arith.constant 0 : i32
          %dma_wait3A_120 = tpu.memref_slice %arg7[%dma_wait3A_118, %dma_wait3A_119] : memref<40x128xi32, #tpu.memory_space<vmem>> -> memref<1x128xi32, #tpu.memory_space<vmem>>
          %dma_wait3A_121 = tpu.memref_squeeze %dma_wait3A_120 : memref<1x128xi32, #tpu.memory_space<vmem>> -> memref<128xi32, #tpu.memory_space<vmem>>
          %dma_wait3A_122 = arith.constant 0 : i32
          %dma_wait3A_123 = arith.constant 0 : i32
          %dma_wait3A_124 = arith.constant 0 : i32
          %dma_wait3A_125 = tpu.memref_slice %arg10[%dma_wait3A_122, %dma_wait3A_123, %dma_wait3A_124] : memref<10240x2x128xbf16, #tpu.memory_space<vmem_shared>> -> memref<10240x2x128xbf16, #tpu.memory_space<vmem_shared>>
          tpu.wait_indirect_dma semaphore(%arg14 : memref<!tpu.dma_semaphore, #tpu.memory_space<semaphore_mem>>) src(%arg9 : memref<128x2x128xbf16, #tpu.memory_space<vmem>>) dst(%dma_wait3A_125 : memref<10240x2x128xbf16, #tpu.memory_space<vmem_shared>>)
        } else {
        }
        %add3A_70 = arith.constant 1 : i32
        %add3A_71 = arith.addi %mul3A_60, %add3A_70 : i32
        %dma_start3A_72 = arith.constant 0 : i32
        %dma_start3A_73 = tpu.memref_slice %arg6[%add3A_71, %dma_start3A_72] : memref<40x128xi32, #tpu.memory_space<vmem>> -> memref<1x128xi32, #tpu.memory_space<vmem>>
        %dma_start3A_74 = tpu.memref_squeeze %dma_start3A_73 : memref<1x128xi32, #tpu.memory_space<vmem>> -> memref<128xi32, #tpu.memory_space<vmem>>
        %dma_start3A_75 = arith.constant 0 : i32
        %dma_start3A_76 = arith.constant 0 : i32
        %dma_start3A_77 = arith.constant 0 : i32
        %dma_start3A_78 = tpu.memref_slice %arg2[%dma_start3A_75, %dma_start3A_76, %dma_start3A_77] : memref<20480x2x128xbf16, #tpu.memory_space<hbm>> -> memref<20480x2x128xbf16, #tpu.memory_space<hbm>>
        tpu.enqueue_indirect_dma source(%dma_start3A_78 : memref<20480x2x128xbf16, #tpu.memory_space<hbm>>) target(%arg9 : memref<128x2x128xbf16, #tpu.memory_space<vmem>>) offsets(%dma_start3A_74 : memref<128xi32, #tpu.memory_space<vmem>>) semaphore(%arg12 : memref<!tpu.dma_semaphore, #tpu.memory_space<semaphore_mem>>)
        %dma_start3A_79 = arith.constant 0 : i32
        %dma_start3A_80 = tpu.memref_slice %arg7[%mul3A_60, %dma_start3A_79] : memref<40x128xi32, #tpu.memory_space<vmem>> -> memref<1x128xi32, #tpu.memory_space<vmem>>
        %dma_start3A_81 = tpu.memref_squeeze %dma_start3A_80 : memref<1x128xi32, #tpu.memory_space<vmem>> -> memref<128xi32, #tpu.memory_space<vmem>>
        %dma_start3A_82 = arith.constant 0 : i32
        %dma_start3A_83 = arith.constant 0 : i32
        %dma_start3A_84 = arith.constant 0 : i32
        %dma_start3A_85 = tpu.memref_slice %arg10[%dma_start3A_82, %dma_start3A_83, %dma_start3A_84] : memref<10240x2x128xbf16, #tpu.memory_space<vmem_shared>> -> memref<10240x2x128xbf16, #tpu.memory_space<vmem_shared>>
        tpu.enqueue_indirect_dma source(%arg8 : memref<128x2x128xbf16, #tpu.memory_space<vmem>>) target(%dma_start3A_85 : memref<10240x2x128xbf16, #tpu.memory_space<vmem_shared>>) offsets(%dma_start3A_81 : memref<128xi32, #tpu.memory_space<vmem>>) semaphore(%arg13 : memref<!tpu.dma_semaphore, #tpu.memory_space<semaphore_mem>>) {add = true}
        %add3A_86 = arith.constant 1 : i32
        %add3A_87 = arith.addi %mul3A_60, %add3A_86 : i32
        %dma_wait3A_88 = arith.constant 0 : i32
        %dma_wait3A_89 = tpu.memref_slice %arg6[%add3A_87, %dma_wait3A_88] : memref<40x128xi32, #tpu.memory_space<vmem>> -> memref<1x128xi32, #tpu.memory_space<vmem>>
        %dma_wait3A_90 = tpu.memref_squeeze %dma_wait3A_89 : memref<1x128xi32, #tpu.memory_space<vmem>> -> memref<128xi32, #tpu.memory_space<vmem>>
        %dma_wait3A_91 = arith.constant 0 : i32
        %dma_wait3A_92 = arith.constant 0 : i32
        %dma_wait3A_93 = arith.constant 0 : i32
        %dma_wait3A_94 = tpu.memref_slice %arg2[%dma_wait3A_91, %dma_wait3A_92, %dma_wait3A_93] : memref<20480x2x128xbf16, #tpu.memory_space<hbm>> -> memref<20480x2x128xbf16, #tpu.memory_space<hbm>>
        tpu.wait_indirect_dma semaphore(%arg12 : memref<!tpu.dma_semaphore, #tpu.memory_space<semaphore_mem>>) src(%dma_wait3A_94 : memref<20480x2x128xbf16, #tpu.memory_space<hbm>>) dst(%arg9 : memref<128x2x128xbf16, #tpu.memory_space<vmem>>)
        %dma_wait3A_95 = arith.constant 0 : i32
        %dma_wait3A_96 = arith.constant 0 : i32
        %dma_wait3A_97 = tpu.memref_slice %arg7[%dma_wait3A_95, %dma_wait3A_96] : memref<40x128xi32, #tpu.memory_space<vmem>> -> memref<1x128xi32, #tpu.memory_space<vmem>>
        %dma_wait3A_98 = tpu.memref_squeeze %dma_wait3A_97 : memref<1x128xi32, #tpu.memory_space<vmem>> -> memref<128xi32, #tpu.memory_space<vmem>>
        %dma_wait3A_99 = arith.constant 0 : i32
        %dma_wait3A_100 = arith.constant 0 : i32
        %dma_wait3A_101 = arith.constant 0 : i32
        %dma_wait3A_102 = tpu.memref_slice %arg10[%dma_wait3A_99, %dma_wait3A_100, %dma_wait3A_101] : memref<10240x2x128xbf16, #tpu.memory_space<vmem_shared>> -> memref<10240x2x128xbf16, #tpu.memory_space<vmem_shared>>
        tpu.wait_indirect_dma semaphore(%arg13 : memref<!tpu.dma_semaphore, #tpu.memory_space<semaphore_mem>>) src(%arg8 : memref<128x2x128xbf16, #tpu.memory_space<vmem>>) dst(%dma_wait3A_102 : memref<10240x2x128xbf16, #tpu.memory_space<vmem_shared>>)
        %add3A_103 = arith.constant 1 : i32
        %add3A_104 = arith.addi %scan3A_58, %add3A_103 : i32
        %lt3A = arith.constant 20 : i32
        %lt3A_105 = arith.cmpi slt, %add3A_104, %lt3A : i32
        %convert_element_type3A_106 = arith.extui %lt3A_105 : i1 to i32
        %cond3A_107 = arith.constant 0 : i32
        %cond3A_108 = arith.cmpi ne, %convert_element_type3A_106, %cond3A_107 : i32
        scf.if %cond3A_108 {
          %add3A_118 = arith.constant 2 : i32
          %add3A_119 = arith.addi %mul3A_60, %add3A_118 : i32
          %dma_start3A_120 = arith.constant 0 : i32
          %dma_start3A_121 = tpu.memref_slice %arg6[%add3A_119, %dma_start3A_120] : memref<40x128xi32, #tpu.memory_space<vmem>> -> memref<1x128xi32, #tpu.memory_space<vmem>>
          %dma_start3A_122 = tpu.memref_squeeze %dma_start3A_121 : memref<1x128xi32, #tpu.memory_space<vmem>> -> memref<128xi32, #tpu.memory_space<vmem>>
          %dma_start3A_123 = arith.constant 0 : i32
          %dma_start3A_124 = arith.constant 0 : i32
          %dma_start3A_125 = arith.constant 0 : i32
          %dma_start3A_126 = tpu.memref_slice %arg2[%dma_start3A_123, %dma_start3A_124, %dma_start3A_125] : memref<20480x2x128xbf16, #tpu.memory_space<hbm>> -> memref<20480x2x128xbf16, #tpu.memory_space<hbm>>
          tpu.enqueue_indirect_dma source(%dma_start3A_126 : memref<20480x2x128xbf16, #tpu.memory_space<hbm>>) target(%arg8 : memref<128x2x128xbf16, #tpu.memory_space<vmem>>) offsets(%dma_start3A_122 : memref<128xi32, #tpu.memory_space<vmem>>) semaphore(%arg11 : memref<!tpu.dma_semaphore, #tpu.memory_space<semaphore_mem>>)
        } else {
        }
        %add3A_109 = arith.constant 1 : i32
        %add3A_110 = arith.addi %mul3A_60, %add3A_109 : i32
        %dma_start3A_111 = arith.constant 0 : i32
        %dma_start3A_112 = tpu.memref_slice %arg7[%add3A_110, %dma_start3A_111] : memref<40x128xi32, #tpu.memory_space<vmem>> -> memref<1x128xi32, #tpu.memory_space<vmem>>
        %dma_start3A_113 = tpu.memref_squeeze %dma_start3A_112 : memref<1x128xi32, #tpu.memory_space<vmem>> -> memref<128xi32, #tpu.memory_space<vmem>>
        %dma_start3A_114 = arith.constant 0 : i32
        %dma_start3A_115 = arith.constant 0 : i32
        %dma_start3A_116 = arith.constant 0 : i32
        %dma_start3A_117 = tpu.memref_slice %arg10[%dma_start3A_114, %dma_start3A_115, %dma_start3A_116] : memref<10240x2x128xbf16, #tpu.memory_space<vmem_shared>> -> memref<10240x2x128xbf16, #tpu.memory_space<vmem_shared>>
        tpu.enqueue_indirect_dma source(%arg9 : memref<128x2x128xbf16, #tpu.memory_space<vmem>>) target(%dma_start3A_117 : memref<10240x2x128xbf16, #tpu.memory_space<vmem_shared>>) offsets(%dma_start3A_113 : memref<128xi32, #tpu.memory_space<vmem>>) semaphore(%arg14 : memref<!tpu.dma_semaphore, #tpu.memory_space<semaphore_mem>>) {add = true}
      }
      %scan3A_50 = arith.constant 20 : i32
      %dma_wait3A = arith.constant 0 : i32
      %dma_wait3A_51 = arith.constant 0 : i32
      %dma_wait3A_52 = tpu.memref_slice %arg7[%dma_wait3A, %dma_wait3A_51] : memref<40x128xi32, #tpu.memory_space<vmem>> -> memref<1x128xi32, #tpu.memory_space<vmem>>
      %dma_wait3A_53 = tpu.memref_squeeze %dma_wait3A_52 : memref<1x128xi32, #tpu.memory_space<vmem>> -> memref<128xi32, #tpu.memory_space<vmem>>
      %dma_wait3A_54 = arith.constant 0 : i32
      %dma_wait3A_55 = arith.constant 0 : i32
      %dma_wait3A_56 = arith.constant 0 : i32
      %dma_wait3A_57 = tpu.memref_slice %arg10[%dma_wait3A_54, %dma_wait3A_55, %dma_wait3A_56] : memref<10240x2x128xbf16, #tpu.memory_space<vmem_shared>> -> memref<10240x2x128xbf16, #tpu.memory_space<vmem_shared>>
      tpu.wait_indirect_dma semaphore(%arg14 : memref<!tpu.dma_semaphore, #tpu.memory_space<semaphore_mem>>) src(%arg9 : memref<128x2x128xbf16, #tpu.memory_space<vmem>>) dst(%dma_wait3A_57 : memref<10240x2x128xbf16, #tpu.memory_space<vmem_shared>>)
    }
    %scan3A_16 = arith.constant 2 : i32
    %barrier3A_17 = arith.constant 0 : index
    tpu.barrier barrier_id(%barrier3A_17)
    %scan3A_18 = arith.constant 0 : i32
    %scan3A_19 = arith.constant 0 : i32
    %scan3A_20 = arith.constant 5 : i32
    %scan3A_21 = arith.addi %scan3A_19, %scan3A_20 : i32
    %scan3A_22 = arith.constant 1 : i32
    scf.for %scan3A_24 = %scan3A_19 to %scan3A_21 step %scan3A_22  : i32 {
      %mul3A_25 = arith.constant 128 : i32
      %mul3A_26 = arith.muli %scan3A_24, %mul3A_25 : i32
      %add3A = arith.addi %mul3A_2, %mul3A_26 : i32
      "tpu.region"() ({
        %run_scoped3A = tpu.sem_alloc : memref<!tpu.dma_semaphore, #tpu.memory_space<semaphore_mem>>
        %dma_start3A = arith.constant 0 : i32
        %dma_start3A_30 = arith.constant 0 : i32
        %dma_start3A_31 = tpu.memref_slice %arg10[%add3A, %dma_start3A, %dma_start3A_30] : memref<10240x2x128xbf16, #tpu.memory_space<vmem_shared>> -> memref<128x2x128xbf16, #tpu.memory_space<vmem_shared>>
        %dma_start3A_32 = arith.constant 0 : i32
        %dma_start3A_33 = arith.constant 0 : i32
        %dma_start3A_34 = tpu.memref_slice %arg10[%add3A, %dma_start3A_32, %dma_start3A_33] : memref<10240x2x128xbf16, #tpu.memory_space<vmem_shared>> -> memref<128x2x128xbf16, #tpu.memory_space<vmem_shared>>
        tpu.enqueue_dma source(%dma_start3A_34 : memref<128x2x128xbf16, #tpu.memory_space<vmem_shared>>) target(%arg8 : memref<128x2x128xbf16, #tpu.memory_space<vmem>>) target_semaphore(%run_scoped3A : memref<!tpu.dma_semaphore, #tpu.memory_space<semaphore_mem>>)
        %dma_wait3A = arith.constant 0 : i32
        %dma_wait3A_35 = arith.constant 0 : i32
        %dma_wait3A_36 = tpu.memref_slice %arg10[%add3A, %dma_wait3A, %dma_wait3A_35] : memref<10240x2x128xbf16, #tpu.memory_space<vmem_shared>> -> memref<128x2x128xbf16, #tpu.memory_space<vmem_shared>>
        %dma_wait3A_37 = arith.constant 0 : i32
        %dma_wait3A_38 = arith.constant 0 : i32
        %dma_wait3A_39 = tpu.memref_slice %arg10[%add3A, %dma_wait3A_37, %dma_wait3A_38] : memref<10240x2x128xbf16, #tpu.memory_space<vmem_shared>> -> memref<128x2x128xbf16, #tpu.memory_space<vmem_shared>>
        tpu.wait_dma2 semaphore(%run_scoped3A : memref<!tpu.dma_semaphore, #tpu.memory_space<semaphore_mem>>) src(%dma_wait3A_39 : memref<128x2x128xbf16, #tpu.memory_space<vmem_shared>>) dst(%arg8 : memref<128x2x128xbf16, #tpu.memory_space<vmem>>)
        tpu.yield
      }) : () -> ()
      %mul3A_27 = arith.constant 10240 : i32
      %mul3A_28 = arith.muli %arg0, %mul3A_27 : i32
      %add3A_29 = arith.addi %mul3A_28, %add3A : i32
      "tpu.region"() ({
        %run_scoped3A = tpu.sem_alloc : memref<!tpu.dma_semaphore, #tpu.memory_space<semaphore_mem>>
        %dma_start3A = arith.constant 0 : i32
        %dma_start3A_30 = arith.constant 0 : i32
        %dma_start3A_31 = tpu.memref_slice %arg5[%add3A_29, %dma_start3A, %dma_start3A_30] : memref<20480x2x128xbf16, #tpu.memory_space<hbm>> -> memref<128x2x128xbf16, #tpu.memory_space<hbm>>
        %dma_start3A_32 = arith.constant 0 : i32
        %dma_start3A_33 = arith.constant 0 : i32
        %dma_start3A_34 = tpu.memref_slice %arg5[%add3A_29, %dma_start3A_32, %dma_start3A_33] : memref<20480x2x128xbf16, #tpu.memory_space<hbm>> -> memref<128x2x128xbf16, #tpu.memory_space<hbm>>
        tpu.enqueue_dma source(%arg8 : memref<128x2x128xbf16, #tpu.memory_space<vmem>>) target(%dma_start3A_34 : memref<128x2x128xbf16, #tpu.memory_space<hbm>>) target_semaphore(%run_scoped3A : memref<!tpu.dma_semaphore, #tpu.memory_space<semaphore_mem>>)
        %dma_wait3A = arith.constant 0 : i32
        %dma_wait3A_35 = arith.constant 0 : i32
        %dma_wait3A_36 = tpu.memref_slice %arg5[%add3A_29, %dma_wait3A, %dma_wait3A_35] : memref<20480x2x128xbf16, #tpu.memory_space<hbm>> -> memref<128x2x128xbf16, #tpu.memory_space<hbm>>
        %dma_wait3A_37 = arith.constant 0 : i32
        %dma_wait3A_38 = arith.constant 0 : i32
        %dma_wait3A_39 = tpu.memref_slice %arg5[%add3A_29, %dma_wait3A_37, %dma_wait3A_38] : memref<20480x2x128xbf16, #tpu.memory_space<hbm>> -> memref<128x2x128xbf16, #tpu.memory_space<hbm>>
        tpu.wait_dma2 semaphore(%run_scoped3A : memref<!tpu.dma_semaphore, #tpu.memory_space<semaphore_mem>>) src(%arg8 : memref<128x2x128xbf16, #tpu.memory_space<vmem>>) dst(%dma_wait3A_39 : memref<128x2x128xbf16, #tpu.memory_space<hbm>>)
        tpu.yield
      }) : () -> ()
    }
    %scan3A_23 = arith.constant 5 : i32
    return
  }
}

module attributes {stable_mosaic.version = 14 : i64} {
  func.func @body(%arg0: i32, %arg1: memref<1024x128xf32, #tpu.memory_space<vmem>>, %arg2: memref<128x256xf32, #tpu.memory_space<vmem>>, %arg3: memref<2x1024xf32, #tpu.memory_space<vmem>>, %arg4: memref<2x1024x256xbf16, #tpu.memory_space<vmem>>) attributes {dimension_semantics = [#tpu.dimension_semantics<arbitrary>], iteration_bounds = array<i64: 10>, scalar_prefetch = 0 : i64, scratch_operands = 0 : i64, tpu.core_type = #tpu.core_type<tc>, window_params = [{transform_indices = @transform_0, window_bounds = array<i64: 1024, 128>}, {pipeline_mode = #tpu.pipeline_mode<synchronous>, transform_indices = @transform_1, window_bounds = array<i64: 128, 256>}, {transform_indices = @transform_2, window_bounds = array<i64: 2, 1024>}, {transform_indices = @transform_3, window_bounds = array<i64: 2, 1024, 256>}]} {
    %get3A = arith.constant 0 : index
    %get3A_0 = arith.constant 0 : index
    %get3A_1 = vector.load %arg3[%get3A, %get3A_0] : memref<2x1024xf32, #tpu.memory_space<vmem>>, vector<2x1024xf32>
    %broadcast_in_dim3A = arith.constant 1.000000e+00 : f32
    %broadcast_in_dim3A_2 = vector.broadcast %broadcast_in_dim3A : f32 to vector<2x1xf32>
    %dot_general3A = arith.constant dense<0.000000e+00> : vector<1024x1xf32>
    %dot_general3A_3 = tpu.matmul %get3A_1, %broadcast_in_dim3A_2, %dot_general3A {dimension_numbers = #tpu.dot_dimension_numbers<[0], [0], [1], [1], [0, 1, 1, 1], [], []>, transpose_lhs_hint = false} : vector<2x1024xf32>, vector<2x1xf32>, vector<1024x1xf32> -> vector<1024x1xf32>
    %add3A = arith.constant 1.000000e+00 : f32
    %add3A_4 = vector.broadcast %add3A : f32 to vector<1024x1xf32>
    %add3A_5 = arith.addf %dot_general3A_3, %add3A_4 : vector<1024x1xf32>
    %rsqrt3A = math.rsqrt %add3A_5 : vector<1024x1xf32>
    %get3A_6 = arith.constant 0 : index
    %get3A_7 = arith.constant 0 : index
    %get3A_8 = vector.load %arg1[%get3A_6, %get3A_7] : memref<1024x128xf32, #tpu.memory_space<vmem>>, vector<1024x128xf32>
    %get3A_9 = arith.constant 0 : index
    %get3A_10 = arith.constant 0 : index
    %get3A_11 = vector.load %arg2[%get3A_9, %get3A_10] : memref<128x256xf32, #tpu.memory_space<vmem>>, vector<128x256xf32>
    %dot_general3A_12 = arith.constant dense<0.000000e+00> : vector<1024x256xf32>
    %dot_general3A_13 = tpu.matmul %get3A_8, %get3A_11, %dot_general3A_12 {dimension_numbers = #tpu.dot_dimension_numbers<[1], [0], [0], [1], [0, 0, 1, 1], [], []>, transpose_lhs_hint = false} : vector<1024x128xf32>, vector<128x256xf32>, vector<1024x256xf32> -> vector<1024x256xf32>
    %mul3A = vector.broadcast %rsqrt3A : vector<1024x1xf32> to vector<1024x256xf32>
    %mul3A_14 = arith.mulf %dot_general3A_13, %mul3A : vector<1024x256xf32>
    %convert_element_type3A = arith.truncf %mul3A_14 : vector<1024x256xf32> to vector<1024x256xbf16>
    %swap3A = arith.constant 0 : index
    %swap3A_15 = arith.constant 0 : index
    %swap3A_16 = arith.constant 0 : index
    %swap3A_17 = vector.load %arg4[%swap3A, %swap3A_15, %swap3A_16] : memref<2x1024x256xbf16, #tpu.memory_space<vmem>>, vector<1x1024x256xbf16>
    %swap3A_18 = vector.shape_cast %swap3A_17 : vector<1x1024x256xbf16> to vector<1024x256xbf16>
    %swap3A_19 = vector.shape_cast %convert_element_type3A : vector<1024x256xbf16> to vector<1x1024x256xbf16>
    tpu.vector_store %arg4[%swap3A, %swap3A_15, %swap3A_16], %swap3A_19 {strides = array<i32>} : memref<2x1024x256xbf16, #tpu.memory_space<vmem>>, vector<1x1024x256xbf16>,
    %swap3A_20 = arith.constant 1 : index
    %swap3A_21 = arith.constant 0 : index
    %swap3A_22 = arith.constant 0 : index
    %swap3A_23 = vector.load %arg4[%swap3A_20, %swap3A_21, %swap3A_22] : memref<2x1024x256xbf16, #tpu.memory_space<vmem>>, vector<1x1024x256xbf16>
    %swap3A_24 = vector.shape_cast %swap3A_23 : vector<1x1024x256xbf16> to vector<1024x256xbf16>
    %swap3A_25 = vector.shape_cast %convert_element_type3A : vector<1024x256xbf16> to vector<1x1024x256xbf16>
    tpu.vector_store %arg4[%swap3A_20, %swap3A_21, %swap3A_22], %swap3A_25 {strides = array<i32>} : memref<2x1024x256xbf16, #tpu.memory_space<vmem>>, vector<1x1024x256xbf16>,
    return
  }
  func.func @transform_0(%arg0: i32) -> (i32, i32) {
    %c0_i32 = arith.constant 0 : i32
    %c0_i32_0 = arith.constant 0 : i32
    return %arg0, %c0_i32 : i32, i32
  }
  func.func @transform_1(%arg0: i32) -> (i32, i32) {
    %c0_i32 = arith.constant 0 : i32
    %c0_i32_0 = arith.constant 0 : i32
    %c0_i32_1 = arith.constant 0 : i32
    return %c0_i32, %c0_i32_0 : i32, i32
  }
  func.func @transform_2(%arg0: i32) -> (i32, i32) {
    %c0_i32 = arith.constant 0 : i32
    %c0_i32_0 = arith.constant 0 : i32
    return %c0_i32, %arg0 : i32, i32
  }
  func.func @transform_3(%arg0: i32) -> (i32, i32, i32) {
    %c0_i32 = arith.constant 0 : i32
    %c0_i32_0 = arith.constant 0 : i32
    %c0_i32_1 = arith.constant 0 : i32
    return %c0_i32, %arg0, %c0_i32_0 : i32, i32, i32
  }
}

module attributes {stable_mosaic.version = 14 : i64} {
  func.func @body(%arg0: i32, %arg1: memref<2x1024x256xbf16, #tpu.memory_space<vmem>>, %arg2: memref<1x1024x256xbf16, #tpu.memory_space<vmem>>, %arg3: memref<2x1024xf32, #tpu.memory_space<vmem>>, %arg4: memref<256x128xf32, #tpu.memory_space<vmem>>, %arg5: memref<1x256xf32, #tpu.memory_space<vmem>>, %arg6: memref<2x1024x128xf32, #tpu.memory_space<vmem>>) attributes {dimension_semantics = [#tpu.dimension_semantics<arbitrary>], iteration_bounds = array<i64: 10>, scalar_prefetch = 0 : i64, scratch_operands = 0 : i64, tpu.core_type = #tpu.core_type<tc>, window_params = [{transform_indices = @transform_0, window_bounds = array<i64: 2, 1024, 256>}, {transform_indices = @transform_1, window_bounds = array<i64: 1, 1024, 256>}, {transform_indices = @transform_2, window_bounds = array<i64: 2, 1024>}, {pipeline_mode = #tpu.pipeline_mode<synchronous>, transform_indices = @transform_3, window_bounds = array<i64: 256, 128>}, {pipeline_mode = #tpu.pipeline_mode<synchronous>, transform_indices = @transform_4, window_bounds = array<i64: 1, 256>}, {transform_indices = @transform_5, window_bounds = array<i64: 2, 1024, 128>}]} {
    %get3A = arith.constant 0 : index
    %get3A_0 = arith.constant 0 : index
    %get3A_1 = vector.load %arg3[%get3A, %get3A_0] : memref<2x1024xf32, #tpu.memory_space<vmem>>, vector<2x1024xf32>
    %broadcast_in_dim3A = arith.constant 1.000000e+00 : f32
    %broadcast_in_dim3A_2 = vector.broadcast %broadcast_in_dim3A : f32 to vector<2x1xf32>
    %dot_general3A = arith.constant dense<0.000000e+00> : vector<1024x1xf32>
    %dot_general3A_3 = tpu.matmul %get3A_1, %broadcast_in_dim3A_2, %dot_general3A {dimension_numbers = #tpu.dot_dimension_numbers<[0], [0], [1], [1], [0, 1, 1, 1], [], []>, transpose_lhs_hint = false} : vector<2x1024xf32>, vector<2x1xf32>, vector<1024x1xf32> -> vector<1024x1xf32>
    %add3A = arith.constant 1.000000e+00 : f32
    %add3A_4 = vector.broadcast %add3A : f32 to vector<1024x1xf32>
    %add3A_5 = arith.addf %dot_general3A_3, %add3A_4 : vector<1024x1xf32>
    %rsqrt3A = math.rsqrt %add3A_5 : vector<1024x1xf32>
    %get3A_6 = arith.constant 0 : index
    %get3A_7 = arith.constant 0 : index
    %get3A_8 = arith.constant 0 : index
    %get3A_9 = vector.load %arg1[%get3A_6, %get3A_7, %get3A_8] : memref<2x1024x256xbf16, #tpu.memory_space<vmem>>, vector<1x1024x256xbf16>
    %get3A_10 = vector.shape_cast %get3A_9 : vector<1x1024x256xbf16> to vector<1024x256xbf16>
    %convert_element_type3A = arith.extf %get3A_10 : vector<1024x256xbf16> to vector<1024x256xf32>
    %get3A_11 = arith.constant 1 : index
    %get3A_12 = arith.constant 0 : index
    %get3A_13 = arith.constant 0 : index
    %get3A_14 = vector.load %arg1[%get3A_11, %get3A_12, %get3A_13] : memref<2x1024x256xbf16, #tpu.memory_space<vmem>>, vector<1x1024x256xbf16>
    %get3A_15 = vector.shape_cast %get3A_14 : vector<1x1024x256xbf16> to vector<1024x256xbf16>
    %convert_element_type3A_16 = arith.extf %get3A_15 : vector<1024x256xbf16> to vector<1024x256xf32>
    %add3A_17 = arith.addf %convert_element_type3A, %convert_element_type3A_16 : vector<1024x256xf32>
    %get3A_18 = arith.constant 0 : index
    %get3A_19 = arith.constant 0 : index
    %get3A_20 = arith.constant 0 : index
    %get3A_21 = vector.load %arg2[%get3A_18, %get3A_19, %get3A_20] : memref<1x1024x256xbf16, #tpu.memory_space<vmem>>, vector<1x1024x256xbf16>
    %get3A_22 = vector.shape_cast %get3A_21 : vector<1x1024x256xbf16> to vector<1024x256xbf16>
    %convert_element_type3A_23 = arith.extf %get3A_22 : vector<1024x256xbf16> to vector<1024x256xf32>
    %sub3A = arith.subf %add3A_17, %convert_element_type3A_23 : vector<1024x256xf32>
    %mul3A = vector.broadcast %rsqrt3A : vector<1024x1xf32> to vector<1024x256xf32>
    %mul3A_24 = arith.mulf %sub3A, %mul3A : vector<1024x256xf32>
    %get3A_25 = arith.constant 0 : index
    %get3A_26 = arith.constant 0 : index
    %get3A_27 = vector.load %arg5[%get3A_25, %get3A_26] : memref<1x256xf32, #tpu.memory_space<vmem>>, vector<1x256xf32>
    %add3A_28 = vector.broadcast %get3A_27 : vector<1x256xf32> to vector<1024x256xf32>
    %add3A_29 = arith.addf %mul3A_24, %add3A_28 : vector<1024x256xf32>
    %max3A = arith.constant 0.000000e+00 : f32
    %max3A_30 = vector.broadcast %max3A : f32 to vector<1024x256xf32>
    %max3A_31 = arith.maximumf %add3A_29, %max3A_30 : vector<1024x256xf32>
    %slice3A = vector.extract_strided_slice %max3A_31 {offsets = [0, 0], sizes = [1024, 128], strides = [1, 1]} : vector<1024x256xf32> to vector<1024x128xf32>
    %get3A_32 = arith.constant 0 : index
    %get3A_33 = arith.constant 0 : index
    %get3A_34 = vector.load %arg4[%get3A_32, %get3A_33] : memref<256x128xf32, #tpu.memory_space<vmem>>, vector<128x128xf32>
    %dot_general3A_35 = arith.constant dense<0.000000e+00> : vector<1024x128xf32>
    %dot_general3A_36 = tpu.matmul %slice3A, %get3A_34, %dot_general3A_35 {dimension_numbers = #tpu.dot_dimension_numbers<[1], [0], [0], [1], [0, 0, 1, 1], [], []>, transpose_lhs_hint = false} : vector<1024x128xf32>, vector<128x128xf32>, vector<1024x128xf32> -> vector<1024x128xf32>
    %slice3A_37 = vector.extract_strided_slice %max3A_31 {offsets = [0, 128], sizes = [1024, 128], strides = [1, 1]} : vector<1024x256xf32> to vector<1024x128xf32>
    %get3A_38 = arith.constant 128 : index
    %get3A_39 = arith.constant 0 : index
    %get3A_40 = vector.load %arg4[%get3A_38, %get3A_39] : memref<256x128xf32, #tpu.memory_space<vmem>>, vector<128x128xf32>
    %dot_general3A_41 = arith.constant dense<0.000000e+00> : vector<1024x128xf32>
    %dot_general3A_42 = tpu.matmul %slice3A_37, %get3A_40, %dot_general3A_41 {dimension_numbers = #tpu.dot_dimension_numbers<[1], [0], [0], [1], [0, 0, 1, 1], [], []>, transpose_lhs_hint = false} : vector<1024x128xf32>, vector<128x128xf32>, vector<1024x128xf32> -> vector<1024x128xf32>
    %add3A_43 = arith.addf %dot_general3A_36, %dot_general3A_42 : vector<1024x128xf32>
    %mul3A_44 = vector.broadcast %rsqrt3A : vector<1024x1xf32> to vector<1024x128xf32>
    %mul3A_45 = arith.mulf %add3A_43, %mul3A_44 : vector<1024x128xf32>
    %swap3A = arith.constant 0 : index
    %swap3A_46 = arith.constant 0 : index
    %swap3A_47 = arith.constant 0 : index
    %swap3A_48 = vector.load %arg6[%swap3A, %swap3A_46, %swap3A_47] : memref<2x1024x128xf32, #tpu.memory_space<vmem>>, vector<1x1024x128xf32>
    %swap3A_49 = vector.shape_cast %swap3A_48 : vector<1x1024x128xf32> to vector<1024x128xf32>
    %swap3A_50 = vector.shape_cast %mul3A_45 : vector<1024x128xf32> to vector<1x1024x128xf32>
    tpu.vector_store %arg6[%swap3A, %swap3A_46, %swap3A_47], %swap3A_50 {strides = array<i32>} : memref<2x1024x128xf32, #tpu.memory_space<vmem>>, vector<1x1024x128xf32>,
    %swap3A_51 = arith.constant 1 : index
    %swap3A_52 = arith.constant 0 : index
    %swap3A_53 = arith.constant 0 : index
    %swap3A_54 = vector.load %arg6[%swap3A_51, %swap3A_52, %swap3A_53] : memref<2x1024x128xf32, #tpu.memory_space<vmem>>, vector<1x1024x128xf32>
    %swap3A_55 = vector.shape_cast %swap3A_54 : vector<1x1024x128xf32> to vector<1024x128xf32>
    %swap3A_56 = vector.shape_cast %mul3A_45 : vector<1024x128xf32> to vector<1x1024x128xf32>
    tpu.vector_store %arg6[%swap3A_51, %swap3A_52, %swap3A_53], %swap3A_56 {strides = array<i32>} : memref<2x1024x128xf32, #tpu.memory_space<vmem>>, vector<1x1024x128xf32>,
    return
  }
  func.func @transform_0(%arg0: i32) -> (i32, i32, i32) {
    %c0_i32 = arith.constant 0 : i32
    %c0_i32_0 = arith.constant 0 : i32
    %c0_i32_1 = arith.constant 0 : i32
    return %c0_i32, %arg0, %c0_i32_0 : i32, i32, i32
  }
  func.func @transform_1(%arg0: i32) -> (i32, i32, i32) {
    %c0_i32 = arith.constant 0 : i32
    %c0_i32_0 = arith.constant 0 : i32
    %c0_i32_1 = arith.constant 0 : i32
    return %c0_i32, %arg0, %c0_i32_0 : i32, i32, i32
  }
  func.func @transform_2(%arg0: i32) -> (i32, i32) {
    %c0_i32 = arith.constant 0 : i32
    %c0_i32_0 = arith.constant 0 : i32
    return %c0_i32, %arg0 : i32, i32
  }
  func.func @transform_3(%arg0: i32) -> (i32, i32) {
    %c0_i32 = arith.constant 0 : i32
    %c0_i32_0 = arith.constant 0 : i32
    %c0_i32_1 = arith.constant 0 : i32
    return %c0_i32, %c0_i32_0 : i32, i32
  }
  func.func @transform_4(%arg0: i32) -> (i32, i32) {
    %c0_i32 = arith.constant 0 : i32
    %c0_i32_0 = arith.constant 0 : i32
    %c0_i32_1 = arith.constant 0 : i32
    return %c0_i32, %c0_i32_0 : i32, i32
  }
  func.func @transform_5(%arg0: i32) -> (i32, i32, i32) {
    %c0_i32 = arith.constant 0 : i32
    %c0_i32_0 = arith.constant 0 : i32
    %c0_i32_1 = arith.constant 0 : i32
    return %c0_i32, %arg0, %c0_i32_0 : i32, i32, i32
  }
}

module attributes {stable_mosaic.version = 14 : i64} {
  func.func @body(%arg0: i32, %arg1: memref<2x1024x128xf32, #tpu.memory_space<vmem>>, %arg2: memref<1x1024x128xf32, #tpu.memory_space<vmem>>, %arg3: memref<2x1024xf32, #tpu.memory_space<vmem>>, %arg4: memref<1x128xf32, #tpu.memory_space<vmem>>, %arg5: memref<1x1x1024xi32, #tpu.memory_space<vmem>>, %arg6: memref<128x128xf32, #tpu.memory_space<vmem>>, %arg7: memref<1x128xf32, #tpu.memory_space<vmem>>, %arg8: memref<128x128xf32, #tpu.memory_space<vmem>>, %arg9: memref<1x128xf32, #tpu.memory_space<vmem>>, %arg10: memref<64x128xf32, #tpu.memory_space<vmem>>, %arg11: memref<64x128xf32, #tpu.memory_space<vmem>>, %arg12: memref<64x128xf32, #tpu.memory_space<vmem>>) attributes {dimension_semantics = [#tpu.dimension_semantics<arbitrary>], iteration_bounds = array<i64: 10>, scalar_prefetch = 0 : i64, scratch_operands = 2 : i64, tpu.core_type = #tpu.core_type<tc>, window_params = [{transform_indices = @transform_0, window_bounds = array<i64: 2, 1024, 128>}, {transform_indices = @transform_1, window_bounds = array<i64: 1, 1024, 128>}, {transform_indices = @transform_2, window_bounds = array<i64: 2, 1024>}, {pipeline_mode = #tpu.pipeline_mode<synchronous>, transform_indices = @transform_3, window_bounds = array<i64: 1, 128>}, {transform_indices = @transform_4, window_bounds = array<i64: 1, 1, 1024>}, {pipeline_mode = #tpu.pipeline_mode<synchronous>, transform_indices = @transform_5, window_bounds = array<i64: 128, 128>}, {pipeline_mode = #tpu.pipeline_mode<synchronous>, transform_indices = @transform_6, window_bounds = array<i64: 1, 128>}, {pipeline_mode = #tpu.pipeline_mode<synchronous>, transform_indices = @transform_7, window_bounds = array<i64: 128, 128>}, {pipeline_mode = #tpu.pipeline_mode<synchronous>, transform_indices = @transform_8, window_bounds = array<i64: 1, 128>}, {pipeline_mode = #tpu.pipeline_mode<synchronous>, transform_indices = @transform_9, window_bounds = array<i64: 64, 128>}]} {
    %eq3A = arith.constant 0 : i32
    %eq3A_0 = arith.cmpi eq, %arg0, %eq3A : i32
    %convert_element_type3A = arith.extui %eq3A_0 : i1 to i32
    %cond3A = arith.constant 0 : i32
    %cond3A_1 = arith.cmpi ne, %convert_element_type3A, %cond3A : i32
    scf.if %cond3A_1 {
      %broadcast_in_dim3A_66 = arith.constant 0.000000e+00 : f32
      %broadcast_in_dim3A_67 = vector.broadcast %broadcast_in_dim3A_66 : f32 to vector<64x128xf32>
      %swap3A_68 = arith.constant 0 : index
      %swap3A_69 = arith.constant 0 : index
      %swap3A_70 = vector.load %arg11[%swap3A_68, %swap3A_69] : memref<64x128xf32, #tpu.memory_space<vmem>>, vector<64x128xf32>
      tpu.vector_store %arg11[%swap3A_68, %swap3A_69], %broadcast_in_dim3A_67 {strides = array<i32>} : memref<64x128xf32, #tpu.memory_space<vmem>>, vector<64x128xf32>,
      %broadcast_in_dim3A_71 = arith.constant 0.000000e+00 : f32
      %broadcast_in_dim3A_72 = vector.broadcast %broadcast_in_dim3A_71 : f32 to vector<64x128xf32>
      %swap3A_73 = arith.constant 0 : index
      %swap3A_74 = arith.constant 0 : index
      %swap3A_75 = vector.load %arg12[%swap3A_73, %swap3A_74] : memref<64x128xf32, #tpu.memory_space<vmem>>, vector<64x128xf32>
      tpu.vector_store %arg12[%swap3A_73, %swap3A_74], %broadcast_in_dim3A_72 {strides = array<i32>} : memref<64x128xf32, #tpu.memory_space<vmem>>, vector<64x128xf32>,
    } else {
    }
    %get3A = arith.constant 0 : index
    %get3A_2 = arith.constant 0 : index
    %get3A_3 = vector.load %arg3[%get3A, %get3A_2] : memref<2x1024xf32, #tpu.memory_space<vmem>>, vector<2x1024xf32>
    %broadcast_in_dim3A = arith.constant 1.000000e+00 : f32
    %broadcast_in_dim3A_4 = vector.broadcast %broadcast_in_dim3A : f32 to vector<2x1xf32>
    %dot_general3A = arith.constant dense<0.000000e+00> : vector<1024x1xf32>
    %dot_general3A_5 = tpu.matmul %get3A_3, %broadcast_in_dim3A_4, %dot_general3A {dimension_numbers = #tpu.dot_dimension_numbers<[0], [0], [1], [1], [0, 1, 1, 1], [], []>, transpose_lhs_hint = false} : vector<2x1024xf32>, vector<2x1xf32>, vector<1024x1xf32> -> vector<1024x1xf32>
    %add3A = arith.constant 1.000000e+00 : f32
    %add3A_6 = vector.broadcast %add3A : f32 to vector<1024x1xf32>
    %add3A_7 = arith.addf %dot_general3A_5, %add3A_6 : vector<1024x1xf32>
    %rsqrt3A = math.rsqrt %add3A_7 : vector<1024x1xf32>
    %get3A_8 = arith.constant 0 : index
    %get3A_9 = arith.constant 0 : index
    %get3A_10 = arith.constant 0 : index
    %get3A_11 = vector.load %arg1[%get3A_8, %get3A_9, %get3A_10] : memref<2x1024x128xf32, #tpu.memory_space<vmem>>, vector<1x1024x128xf32>
    %get3A_12 = vector.shape_cast %get3A_11 : vector<1x1024x128xf32> to vector<1024x128xf32>
    %get3A_13 = arith.constant 1 : index
    %get3A_14 = arith.constant 0 : index
    %get3A_15 = arith.constant 0 : index
    %get3A_16 = vector.load %arg1[%get3A_13, %get3A_14, %get3A_15] : memref<2x1024x128xf32, #tpu.memory_space<vmem>>, vector<1x1024x128xf32>
    %get3A_17 = vector.shape_cast %get3A_16 : vector<1x1024x128xf32> to vector<1024x128xf32>
    %add3A_18 = arith.addf %get3A_12, %get3A_17 : vector<1024x128xf32>
    %get3A_19 = arith.constant 0 : index
    %get3A_20 = arith.constant 0 : index
    %get3A_21 = arith.constant 0 : index
    %get3A_22 = vector.load %arg2[%get3A_19, %get3A_20, %get3A_21] : memref<1x1024x128xf32, #tpu.memory_space<vmem>>, vector<1x1024x128xf32>
    %get3A_23 = vector.shape_cast %get3A_22 : vector<1x1024x128xf32> to vector<1024x128xf32>
    %sub3A = arith.subf %add3A_18, %get3A_23 : vector<1024x128xf32>
    %mul3A = vector.broadcast %rsqrt3A : vector<1024x1xf32> to vector<1024x128xf32>
    %mul3A_24 = arith.mulf %sub3A, %mul3A : vector<1024x128xf32>
    %get3A_25 = arith.constant 0 : index
    %get3A_26 = arith.constant 0 : index
    %get3A_27 = vector.load %arg4[%get3A_25, %get3A_26] : memref<1x128xf32, #tpu.memory_space<vmem>>, vector<1x128xf32>
    %add3A_28 = vector.broadcast %get3A_27 : vector<1x128xf32> to vector<1024x128xf32>
    %add3A_29 = arith.addf %mul3A_24, %add3A_28 : vector<1024x128xf32>
    %max3A = arith.constant 0.000000e+00 : f32
    %max3A_30 = vector.broadcast %max3A : f32 to vector<1024x128xf32>
    %max3A_31 = arith.maximumf %add3A_29, %max3A_30 : vector<1024x128xf32>
    %get3A_32 = arith.constant 0 : index
    %get3A_33 = arith.constant 0 : index
    %get3A_34 = arith.constant 0 : index
    %get3A_35 = vector.load %arg5[%get3A_32, %get3A_33, %get3A_34] : memref<1x1x1024xi32, #tpu.memory_space<vmem>>, vector<1x1x1024xi32>
    %get3A_36 = vector.shape_cast %get3A_35 : vector<1x1x1024xi32> to vector<1x1024xi32>
    %iota3A = tpu.iota {dimensions = array<i32: 0>} : vector<64x1xi32>
    %eq3A_37 = vector.broadcast %get3A_36 : vector<1x1024xi32> to vector<64x1024xi32>
    %eq3A_38 = vector.broadcast %iota3A : vector<64x1xi32> to vector<64x1024xi32>
    %eq3A_39 = arith.cmpi eq, %eq3A_37, %eq3A_38 : vector<64x1024xi32>
    %convert_element_type3A_40 = arith.extui %eq3A_39 : vector<64x1024xi1> to vector<64x1024xi32>
    %convert_element_type3A_41 = arith.sitofp %convert_element_type3A_40 : vector<64x1024xi32> to vector<64x1024xf32>
    %get3A_42 = arith.constant 0 : index
    %get3A_43 = arith.constant 0 : index
    %get3A_44 = vector.load %arg11[%get3A_42, %get3A_43] : memref<64x128xf32, #tpu.memory_space<vmem>>, vector<64x128xf32>
    %dot_general3A_45 = arith.constant dense<0.000000e+00> : vector<64x128xf32>
    %dot_general3A_46 = tpu.matmul %convert_element_type3A_41, %max3A_31, %dot_general3A_45 {dimension_numbers = #tpu.dot_dimension_numbers<[1], [0], [0], [1], [0, 0, 1, 1], [], []>, transpose_lhs_hint = false} : vector<64x1024xf32>, vector<1024x128xf32>, vector<64x128xf32> -> vector<64x128xf32>
    %add3A_47 = arith.addf %get3A_44, %dot_general3A_46 : vector<64x128xf32>
    %swap3A = arith.constant 0 : index
    %swap3A_48 = arith.constant 0 : index
    %swap3A_49 = vector.load %arg11[%swap3A, %swap3A_48] : memref<64x128xf32, #tpu.memory_space<vmem>>, vector<64x128xf32>
    tpu.vector_store %arg11[%swap3A, %swap3A_48], %add3A_47 {strides = array<i32>} : memref<64x128xf32, #tpu.memory_space<vmem>>, vector<64x128xf32>,
    %get3A_50 = arith.constant 0 : index
    %get3A_51 = arith.constant 0 : index
    %get3A_52 = vector.load %arg12[%get3A_50, %get3A_51] : memref<64x128xf32, #tpu.memory_space<vmem>>, vector<64x128xf32>
    %broadcast_in_dim3A_53 = arith.constant 1.000000e+00 : f32
    %broadcast_in_dim3A_54 = vector.broadcast %broadcast_in_dim3A_53 : f32 to vector<1024x128xf32>
    %dot_general3A_55 = arith.constant dense<0.000000e+00> : vector<64x128xf32>
    %dot_general3A_56 = tpu.matmul %convert_element_type3A_41, %broadcast_in_dim3A_54, %dot_general3A_55 {dimension_numbers = #tpu.dot_dimension_numbers<[1], [0], [0], [1], [0, 0, 1, 1], [], []>, transpose_lhs_hint = false} : vector<64x1024xf32>, vector<1024x128xf32>, vector<64x128xf32> -> vector<64x128xf32>
    %add3A_57 = arith.addf %get3A_52, %dot_general3A_56 : vector<64x128xf32>
    %swap3A_58 = arith.constant 0 : index
    %swap3A_59 = arith.constant 0 : index
    %swap3A_60 = vector.load %arg12[%swap3A_58, %swap3A_59] : memref<64x128xf32, #tpu.memory_space<vmem>>, vector<64x128xf32>
    tpu.vector_store %arg12[%swap3A_58, %swap3A_59], %add3A_57 {strides = array<i32>} : memref<64x128xf32, #tpu.memory_space<vmem>>, vector<64x128xf32>,
    %eq3A_61 = arith.constant 9 : i32
    %eq3A_62 = arith.cmpi eq, %arg0, %eq3A_61 : i32
    %convert_element_type3A_63 = arith.extui %eq3A_62 : i1 to i32
    %cond3A_64 = arith.constant 0 : i32
    %cond3A_65 = arith.cmpi ne, %convert_element_type3A_63, %cond3A_64 : i32
    scf.if %cond3A_65 {
      %get3A_66 = arith.constant 0 : index
      %get3A_67 = arith.constant 0 : index
      %get3A_68 = vector.load %arg11[%get3A_66, %get3A_67] : memref<64x128xf32, #tpu.memory_space<vmem>>, vector<64x128xf32>
      %get3A_69 = arith.constant 0 : index
      %get3A_70 = arith.constant 0 : index
      %get3A_71 = vector.load %arg12[%get3A_69, %get3A_70] : memref<64x128xf32, #tpu.memory_space<vmem>>, vector<64x128xf32>
      %max3A_72 = arith.constant 1.000000e+00 : f32
      %max3A_73 = vector.broadcast %max3A_72 : f32 to vector<64x128xf32>
      %max3A_74 = arith.maximumf %get3A_71, %max3A_73 : vector<64x128xf32>
      %div3A = arith.divf %get3A_68, %max3A_74 : vector<64x128xf32>
      %get3A_75 = arith.constant 0 : index
      %get3A_76 = arith.constant 0 : index
      %get3A_77 = vector.load %arg6[%get3A_75, %get3A_76] : memref<128x128xf32, #tpu.memory_space<vmem>>, vector<128x128xf32>
      %dot_general3A_78 = arith.constant dense<0.000000e+00> : vector<64x128xf32>
      %dot_general3A_79 = tpu.matmul %div3A, %get3A_77, %dot_general3A_78 {dimension_numbers = #tpu.dot_dimension_numbers<[1], [0], [0], [1], [0, 0, 1, 1], [], []>, transpose_lhs_hint = false} : vector<64x128xf32>, vector<128x128xf32>, vector<64x128xf32> -> vector<64x128xf32>
      %get3A_80 = arith.constant 0 : index
      %get3A_81 = arith.constant 0 : index
      %get3A_82 = vector.load %arg7[%get3A_80, %get3A_81] : memref<1x128xf32, #tpu.memory_space<vmem>>, vector<1x128xf32>
      %add3A_83 = vector.broadcast %get3A_82 : vector<1x128xf32> to vector<64x128xf32>
      %add3A_84 = arith.addf %dot_general3A_79, %add3A_83 : vector<64x128xf32>
      %max3A_85 = arith.constant 0.000000e+00 : f32
      %max3A_86 = vector.broadcast %max3A_85 : f32 to vector<64x128xf32>
      %max3A_87 = arith.maximumf %add3A_84, %max3A_86 : vector<64x128xf32>
      %get3A_88 = arith.constant 0 : index
      %get3A_89 = arith.constant 0 : index
      %get3A_90 = vector.load %arg8[%get3A_88, %get3A_89] : memref<128x128xf32, #tpu.memory_space<vmem>>, vector<128x128xf32>
      %dot_general3A_91 = arith.constant dense<0.000000e+00> : vector<64x128xf32>
      %dot_general3A_92 = tpu.matmul %max3A_87, %get3A_90, %dot_general3A_91 {dimension_numbers = #tpu.dot_dimension_numbers<[1], [0], [0], [1], [0, 0, 1, 1], [], []>, transpose_lhs_hint = false} : vector<64x128xf32>, vector<128x128xf32>, vector<64x128xf32> -> vector<64x128xf32>
      %get3A_93 = arith.constant 0 : index
      %get3A_94 = arith.constant 0 : index
      %get3A_95 = vector.load %arg9[%get3A_93, %get3A_94] : memref<1x128xf32, #tpu.memory_space<vmem>>, vector<1x128xf32>
      %add3A_96 = vector.broadcast %get3A_95 : vector<1x128xf32> to vector<64x128xf32>
      %add3A_97 = arith.addf %dot_general3A_92, %add3A_96 : vector<64x128xf32>
      %neg3A = arith.constant 0.000000e+00 : f32
      %neg3A_98 = vector.broadcast %neg3A : f32 to vector<64x128xf32>
      %neg3A_99 = arith.subf %neg3A_98, %add3A_97 : vector<64x128xf32>
      %exp3A = math.exp %neg3A_99 : vector<64x128xf32>
      %add3A_100 = arith.constant 1.000000e+00 : f32
      %add3A_101 = vector.broadcast %add3A_100 : f32 to vector<64x128xf32>
      %add3A_102 = arith.addf %add3A_101, %exp3A : vector<64x128xf32>
      %div3A_103 = arith.constant 1.000000e+00 : f32
      %div3A_104 = vector.broadcast %div3A_103 : f32 to vector<64x128xf32>
      %div3A_105 = arith.divf %div3A_104, %add3A_102 : vector<64x128xf32>
      %swap3A_106 = arith.constant 0 : index
      %swap3A_107 = arith.constant 0 : index
      %swap3A_108 = vector.load %arg10[%swap3A_106, %swap3A_107] : memref<64x128xf32, #tpu.memory_space<vmem>>, vector<64x128xf32>
      tpu.vector_store %arg10[%swap3A_106, %swap3A_107], %div3A_105 {strides = array<i32>} : memref<64x128xf32, #tpu.memory_space<vmem>>, vector<64x128xf32>,
    } else {
    }
    return
  }
  func.func @transform_0(%arg0: i32) -> (i32, i32, i32) {
    %c0_i32 = arith.constant 0 : i32
    %c0_i32_0 = arith.constant 0 : i32
    %c0_i32_1 = arith.constant 0 : i32
    return %c0_i32, %arg0, %c0_i32_0 : i32, i32, i32
  }
  func.func @transform_1(%arg0: i32) -> (i32, i32, i32) {
    %c0_i32 = arith.constant 0 : i32
    %c0_i32_0 = arith.constant 0 : i32
    %c0_i32_1 = arith.constant 0 : i32
    return %c0_i32, %arg0, %c0_i32_0 : i32, i32, i32
  }
  func.func @transform_2(%arg0: i32) -> (i32, i32) {
    %c0_i32 = arith.constant 0 : i32
    %c0_i32_0 = arith.constant 0 : i32
    return %c0_i32, %arg0 : i32, i32
  }
  func.func @transform_3(%arg0: i32) -> (i32, i32) {
    %c0_i32 = arith.constant 0 : i32
    %c0_i32_0 = arith.constant 0 : i32
    %c0_i32_1 = arith.constant 0 : i32
    return %c0_i32, %c0_i32_0 : i32, i32
  }
  func.func @transform_4(%arg0: i32) -> (i32, i32, i32) {
    %c0_i32 = arith.constant 0 : i32
    %c0_i32_0 = arith.constant 0 : i32
    %c0_i32_1 = arith.constant 0 : i32
    return %arg0, %c0_i32, %c0_i32_0 : i32, i32, i32
  }
  func.func @transform_5(%arg0: i32) -> (i32, i32) {
    %c0_i32 = arith.constant 0 : i32
    %c0_i32_0 = arith.constant 0 : i32
    %c0_i32_1 = arith.constant 0 : i32
    return %c0_i32, %c0_i32_0 : i32, i32
  }
  func.func @transform_6(%arg0: i32) -> (i32, i32) {
    %c0_i32 = arith.constant 0 : i32
    %c0_i32_0 = arith.constant 0 : i32
    %c0_i32_1 = arith.constant 0 : i32
    return %c0_i32, %c0_i32_0 : i32, i32
  }
  func.func @transform_7(%arg0: i32) -> (i32, i32) {
    %c0_i32 = arith.constant 0 : i32
    %c0_i32_0 = arith.constant 0 : i32
    %c0_i32_1 = arith.constant 0 : i32
    return %c0_i32, %c0_i32_0 : i32, i32
  }
  func.func @transform_8(%arg0: i32) -> (i32, i32) {
    %c0_i32 = arith.constant 0 : i32
    %c0_i32_0 = arith.constant 0 : i32
    %c0_i32_1 = arith.constant 0 : i32
    return %c0_i32, %c0_i32_0 : i32, i32
  }
  func.func @transform_9(%arg0: i32) -> (i32, i32) {
    %c0_i32 = arith.constant 0 : i32
    %c0_i32_0 = arith.constant 0 : i32
    %c0_i32_1 = arith.constant 0 : i32
    return %c0_i32, %c0_i32_0 : i32, i32
  }
}

</mosaic_0001>

<sc_bundles>
// kernel: kernel.11.cloned.1.call-start
scs
__scs_entry_jumppad:
0x0: {  	(pc) =	sbr.rel $0x88, $3  }
0x1: {  	(tag) =	ssettag $0x0;
	lr =	simm.s32 $0x1  }
0x2: {  	[smem:$0x3F96] =	sst lr;
	_ =	strace $0xD0000000  }
0x3: {  	_ = 	snop  }
0x4: {  	_ = 	snop  }
0x5: {  	_ = 	snop  }
0x6: {  	_ = 	snop  }
0x7: {  	_ = 	snop  }
__scs_overlays_trampoline_lowered:
0x8: {  	[smem:$0x3FA5] =	sst s0  }
0x9: {  	[smem:$0x3FA6] =	sst s1  }
0xa: {  	[smem:$0x3FA7] =	sst s2  }
0xb: {  	[smem:$0x3FA8] =	sst s3  }
0xc: {  	[smem:$0x3FA9] =	sst s4  }
0xd: {  	[smem:$0x3FAA] =	sst s5  }
0xe: {  	[smem:$0x3FAB] =	sst s6  }
0xf: {  	[smem:$0x3FAC] =	sst s7  }
0x10: {  	[smem:$0x3FAD] =	sst s8  }
0x11: {  	[smem:$0x3FAE] =	sst s9;
	s0 =	simm.s32 @!p0 $0x0  }
0x12: {  	s1 =	sld [smem:$0x3F94];
	s0 =	simm.s32 @p0 $0x1  }
0x13: {  	[smem:$0x3FAF] =	sst s0;
	s0 =	simm.s32 @!p1 $0x0  }
0x14: {  	s2 =	sld [smem:$0x3F93];
	s0 =	simm.s32 @p1 $0x1  }
0x15: {  	[smem:$0x3FB0] =	sst s0;
	s0 =	simm.s32 @!p2 $0x0  }
0x16: {  	s3 =	sld [smem:$0x3FDB];
	s0 =	simm.s32 @p2 $0x1  }
0x17: {  	s4 =	simm.s32 $0x1BF5;
	[smem:$0x3FB2] =	sst s0  }
0x18: {  	s0 =	sld [smem:$0x3F95];
	_ =	swait.ge [sflag:s4], $0x0  }
0x19: {  	s7 =	sld [smem:$0x3F96]  }
0x1a: {  	s8 =	sadd.s32 $0xFFFFE003, lr  }
0x1b: {  	s9 =	sadd.s32 $0xFFFFFEF7, lr;
	s5 =	simm.s32 $0xFFFFFFFF;
	p2 =	slt.u32 s8, $0xFFFFF086  }
0x1c: {  	p1 =	slt.u32 s9, $0xF7A;
	s5 =	simm.s32 @!p2 $0x0  }
0x1d: {  	s5 =	simm.s32 @p1 $0x1;
	p0 =	seq.s32 s7, s2  }
0x1e: {  	s7 =	smul.u32 @!p0 $0xF7A, s2;
	p2 =	seq.s32 @!p0 s5, $0x0  }
0x1f: {  	s9 =	smul.u32 $0xF7A, s1;
	s8 =	simm.s32 @!p0 $0x1BF5;
	p2 =	por !p2, p0  }
0x20: {  	[sflag:s8] =	ssyncset.s32 @!p0 $0xFFFFF086;
	s6 =	sadd.s32 @!p0 s3, s7;
	s7 =	simm.s32 @!p0 $0x108  }
0x21: {  	s3 =	sadd.s32 s3, s9;
	s6 =	sadd.s32 @!p0 $0x88, s6;
	s7 =	simm.s32 @p2 $0x1082  }
0x22: {  	[simem:s7], [sflag:s8] =	dma.local @!p0 [hbm:s6], $0xF7A  }
0x23: {  	s9 =	sor.u32 $0xD0000000, s2;
	s6 =	simm.s32 $0x108;
	_ =	swait.ge @!p0 [sflag:s8], $0x0  }
0x24: {  	s3 =	sadd.s32 $0x88, s3;
	s6 =	simm.s32 @!p1 $0x1082;
	[sflag:s4] =	ssyncset.s32 $0xFFFFF086  }
0x25: {  	[simem:s6], [sflag:s4] =	dma.local [hbm:s3], $0xF7A  }
0x26: {  	[smem:$0x3F96] =	sst s1;
	(tag) =	ssettag s2;
	_ =	strace s9  }
0x27: {  	s1 =	sld [smem:$0x3FA6]  }
0x28: {  	s2 =	sld [smem:$0x3FA7]  }
0x29: {  	s4 =	sld [smem:$0x3FA9]  }
0x2a: {  	p0 =	seq.s32 s5, $0x0;
	s5 =	sld [smem:$0x3FAA]  }
0x2b: {  	s6 =	sld [smem:$0x3FAB]  }
0x2c: {  	s7 =	sld [smem:$0x3FAC]  }
0x2d: {  	s3 =	simm.s32 $0x108;
	s8 =	sld [smem:$0x3FAD]  }
0x2e: {  	s3 =	simm.s32 @!p0 $0x1082;
	s9 =	sld [smem:$0x3FAE]  }
0x2f: {  	lr =	sadd.s32 s0, s3;
	s0 =	sld [smem:$0x3FA5]  }
0x30: {  	s3 =	sld [smem:$0x3FA8]  }
0x31: {  	[smem:$0x3FB1] =	sst s10  }
0x32: {  	s10 =	sld [smem:$0x3FAF];
	_ =	sdelay $0x3  }
0x33: {  	p0 =	seq.s32 s10, $0x1;
	s10 =	sld [smem:$0x3FB1];
	_ =	sdelay $0x3  }
0x34: {  	[smem:$0x3FB1] =	sst s10  }
0x35: {  	s10 =	sld [smem:$0x3FB0];
	_ =	sdelay $0x3  }
0x36: {  	p1 =	seq.s32 s10, $0x1;
	s10 =	sld [smem:$0x3FB1];
	_ =	sdelay $0x3  }
0x37: {  	[smem:$0x3FB1] =	sst s10  }
0x38: {  	s10 =	sld [smem:$0x3FB2]  }
0x39: {  	_ = 	snop;
	(pc) =	sbr.ind lr, $3  }
0x3a: {  	_ = 	snop  }
0x3b: {  	_ = 	snop  }
0x3c: {  	p2 =	seq.s32 s10, $0x1;
	s10 =	sld [smem:$0x3FB1]  }
0x3d: {  	_ =	shalt  }
0x3e: {  	_ =	shalt  }
0x3f: {  	_ =	shalt  }
0x40: {  	_ =	shalt  }
0x41: {  	_ =	shalt  }
0x42: {  	_ =	shalt  }
0x43: {  	_ =	shalt  }
0x44: {  	_ =	shalt  }
0x45: {  	_ =	shalt  }
0x46: {  	_ =	shalt  }
0x47: {  	_ =	shalt  }
0x48: {  	_ =	shalt  }
0x49: {  	_ =	shalt  }
0x4a: {  	_ =	shalt  }
0x4b: {  	_ =	shalt  }
0x4c: {  	_ =	shalt  }
0x4d: {  	_ =	shalt  }
0x4e: {  	_ =	shalt  }
0x4f: {  	_ =	shalt  }
0x50: {  	_ =	shalt  }
0x51: {  	_ =	shalt  }
0x52: {  	_ =	shalt  }
0x53: {  	_ =	shalt  }
0x54: {  	_ =	shalt  }
0x55: {  	_ =	shalt  }
0x56: {  	_ =	shalt  }
0x57: {  	_ =	shalt  }
0x58: {  	_ =	shalt  }
0x59: {  	_ =	shalt  }
0x5a: {  	_ =	shalt  }
0x5b: {  	_ =	shalt  }
0x5c: {  	_ =	shalt  }
0x5d: {  	_ =	shalt  }
0x5e: {  	_ =	shalt  }
0x5f: {  	_ =	shalt  }
0x60: {  	_ =	shalt  }
0x61: {  	_ =	shalt  }
0x62: {  	_ =	shalt  }
0x63: {  	_ =	shalt  }
0x64: {  	_ =	shalt  }
0x65: {  	_ =	shalt  }
0x66: {  	_ =	shalt  }
0x67: {  	_ =	shalt  }
0x68: {  	_ =	shalt  }
0x69: {  	_ =	shalt  }
0x6a: {  	_ =	shalt  }
0x6b: {  	_ =	shalt  }
0x6c: {  	_ =	shalt  }
0x6d: {  	_ =	shalt  }
0x6e: {  	_ =	shalt  }
0x6f: {  	_ =	shalt  }
0x70: {  	_ =	shalt  }
0x71: {  	_ =	shalt  }
0x72: {  	_ =	shalt  }
0x73: {  	_ =	shalt  }
0x74: {  	_ =	shalt  }
0x75: {  	_ =	shalt  }
0x76: {  	_ =	shalt  }
0x77: {  	_ =	shalt  }
0x78: {  	_ =	shalt  }
0x79: {  	_ =	shalt  }
0x7a: {  	_ =	shalt  }
0x7b: {  	_ =	shalt  }
0x7c: {  	_ =	shalt  }
0x7d: {  	_ =	shalt  }
0x7e: {  	_ =	shalt  }
0x7f: {  	_ =	shalt  }
0x80: {  	_ =	shalt  }
0x81: {  	_ =	shalt  }
0x82: {  	_ =	shalt  }
0x83: {  	_ =	shalt  }
0x84: {  	_ =	shalt  }
0x85: {  	_ =	shalt  }
0x86: {  	_ =	shalt  }
0x87: {  	_ =	shalt  }
.Lfunc_end0:
.L_simem_size_0:
called_computation.1_lowered:
.L_overlay_start_0:
0x88: {  	s2 =	sld [smem:$0x3FD9]  }
0x89: {  	s3 =	sld [smem:$0x3FFE];
	_ =	sdelay $0x1  }
0x8a: {  	s1 =	srdreg.scid  }
0x8b: {  	s0 =	sand.u32 $0x1, s1  }
0x8c: {  	s16 =	sshll.u32 s0, $0xA;
	s2 =	sadd.s32 s3, s2  }
0x8d: {  	s2 =	sadd.s32 s2, s16  }
0x8e: {  	[smem:$0x3FBD] =	sst s2  }
0x8f: {  	_ = 	snop  }
0x90: {  	(tm) =	ssettm $0x1  }
0x91: {  	s17 =	sld [smem:$0x3FFB];
	_ =	sdelay $0x3  }
0x92: {  	_ =	strace s17  }
0x93: {  	s2 =	sld [smem:$0x3FFC];
	_ =	sdelay $0x3  }
0x94: {  	_ =	strace s2  }
0x95: {  	s2 =	sld [smem:$0x3FFD];
	_ =	sdelay $0x3  }
0x96: {  	_ =	strace s2  }
0x97: {  	_ =	strace $0x8FFFFFFF  }
0x98: {  	s18 =	sld [smem:$0x3FDB];
	_ =	sdelay $0x1  }
0x99: {  	s19 =	simm.s32 $_scs_section_size  }
0x9a: {  	s4 =	simm.s32 $_size__tile_overlayer_lowered;
	s5 =	simm.s32 $_tile_overlayer_lowered  }
0x9b: {  	s22 =	simm.s32 $0x1BFF;
	s21 =	sshll.u32 s5, $0x1;
	s2 =	sadd.s32 s19, s18  }
0x9c: {  	s6 =	simm.s32 $0x0;
	s20 =	sshll.u32 s4, $0x1;
	s4 =	sadd.s32 s21, s2  }
0x9d: {  	[timem:s6], [sflag:s22] =	dma.local [hbm:s4], s20  }
0x9e: {  	_ =	swait.ge [sflag:s22], s20  }
0x9f: {  	s3 =	ssub.s32 $0x0, s20;
	[sflag:s22] =	ssyncset.done $0x0  }
0xa0: {  	[sflag:s22] =	ssyncadd.s32 s3;
	_ =	sdelay $0x1  }
0xa1: {  	s23 =	simm.s32 $0x1B8B  }
0xa2: {  	_ =	swait.ge [sflag:s23], $0x1  }
0xa3: {  	[sflag:s23] =	ssyncset.done $0x0  }
0xa4: {  	s25 =	simm.s32 $0x1B8E;
	s24 =	sld [smem:$0x3FFE];
	[sflag:s23] =	ssyncadd.s32 $0xFFFFFFFF  }
0xa5: {  	s26 =	simm.s32 $execute0_lowered;
	[smem:$0x3FD2] =	sst s25  }
0xa6: {  	s4 =	sshll.u32 s26, $0x1;
	_ =	strace $0x80000049;
	[dreg:$0x1] =	wrdreg $0xFFFFFFFF  }
0xa7: {  	s28 =	simm.s32 $_size_execute0_lowered;
	s2 =	sadd.s32 s2, s4;
	[dreg:$0x0] =	wrdreg $0x0  }
0xa8: {  	s4 =	sshll.u32 s28, $0x1;
	[dreg:$0x2] =	wrdreg s2  }
0xa9: {  	[dreg:$0x3] =	wrdreg s4  }
0xaa: {  	[dreg:$0x4] =	wrdreg $0xC0  }
0xab: {  	_ =	task [dreg:s6], $0x5FFFF  }
0xac: {  	[dreg:$0x1] =	wrdreg $0xFFFFFFFF  }
0xad: {  	[dreg:$0x0] =	wrdreg $0x60  }
0xae: {  	[dreg:$0x2] =	wrdreg s24  }
0xaf: {  	[dreg:$0x3] =	wrdreg $0xA8000  }
0xb0: {  	[dreg:$0x4] =	wrdreg $0x9  }
0xb1: {  	_ =	task.clear_ibuf [dreg:s6], $0x5FFFF;
	_ =	strace $0x90000049  }
0xb2: {  	s29 =	simm.s32 $0x9;
	_ =	strace $0x8000004B  }
0xb3: {  	_ =	swait.ge [sflag:s29], $0x1  }
0xb4: {  	[sflag:s29] =	ssyncadd.s32 $0xFFFFFFFF  }
0xb5: {  	_ =	strace $0x9000004B  }
0xb6: {  	_ =	sfence  }
0xb7: {  	s30 =	sld [smem:$0x0];
	_ =	sdelay $0x2  }
0xb8: {  	s31 =	sshll.u32 s1, $0xD;
	s1 =	sshrl.u32 s1, $0x2  }
0xb9: {  	s3 =	sand.u32 $0x4000, s31;
	s1 =	sadd.s32 s1, s30  }
0xba: {  	s0 =	sor.u32 s3, s0;
	s1 =	sshll.u32 s1, $0x11  }
0xbb: {  	s0 =	sor.u32 s1, s0  }
0xbc: {  	s0 =	sadd.s32 $0x8F2B, s0  }
0xbd: {  	[sflag:s0] =	ssyncadd.remote.s32 $0x1  }
0xbe: {  	_ =	sfence.sel $0xFFFF  }
0xbf: {  	[dreg:$0x0] =	wrdreg $0xFFFFFFFF;
	(pc) =	sbr.abs _section_cstart, $3  }
0xc0: {  	[dreg:$0x1] =	wrdreg $0xFFFFFFFF  }
0xc1: {  	_ =	task.clear_ibuf [dreg:s6], $0x2FFFF;
	_ =	strace $0x9FFFFFFF  }
0xc2: {  	(tm) =	ssettm $0x7FFFFFFF  }
0xc3: {  	_ =	shalt  }
tec
execute0_lowered:
.L_overlay_start_1:
0x0: {  	(tag) =	ssettag $0x1  }
0x1: {  	s0 =	rddreg [dreg:$0x0]  }
0x2: {  	s1 =	rddreg [dreg:$0x1];
	s2 =	simm.s32 $0x0  }
0x3: {  	s3 =	srdreg.scid;
	s12 =	stileid.u32;
	s28 =	simm.s32 $0x80  }
0x4: {  	s29 =	simm.s32 $0x1;
	s30 =	simm.s32 $0x6800;
	s31 =	simm.s32 $0x2  }
0x5: {  	[smem:$0x7FF] =	sst s2;
	s4 =	sadd.s32 $0x71400, s0;
	s5 =	sadd.s32 $0x17400, s0  }
0x6: {  	s6 =	sadd.s32 $0xC800, s0;
	s3 =	sand.u32 $0x1, s3;
	s8 =	smul.u32 $0x50000, s12  }
0x7: {  	s0 =	sadd.s32 $0xC1400, s0;
	s11 =	smul.u32 $0x280, s12;
	_ =	strace $0x8000004A  }
0x8: {  	s7 =	ssub.s32 $0x2, s3;
	s10 =	smul.u32 $0x2800, s3;
	s3 =	sshll.u32 s3, $0x4  }
0x9: {  	s9 =	sshrl.u32 s7, $0x1;
	s3 =	sor.u32 s12, s3;
	s8 =	sshrl.u32 s8, $0x2  }
0xa: {  	s26 =	sadd.s32 $0x80, s11;
	s13 =	sadd.s32 $0x100, s11;
	s20 =	sadd.s32 $0x180, s11  }
0xb: {  	s9 =	ssub.s32 s7, s9;
	s7 =	smul.u32 $0x50, s3;
	s8 =	sadd.s32 s8, s1  }
0xc: {  	s25 =	sadd.s32 s10, s11;
	s16 =	sadd.s32 s10, s26;
	s17 =	sadd.s32 s10, s13  }
0xd: {  	s13 =	sshll.u32 s13, $0x7;
	s11 =	sadd.s32 $0x200, s11;
	s24 =	smax.u32 s9, $0x1  }
0xe: {  	s3 =	sshll.u32 s25, $0x4;
	s15 =	sshll.u32 s16, $0x4;
	s9 =	sshll.u32 s26, $0x7  }
0xf: {  	s21 =	sshll.u32 s17, $0x4;
	s16 =	sadd.s32 s10, s20;
	s26 =	sshll.u32 s11, $0x7  }
0x10: {  	[dreg:$0x3] =	wrdreg s24;
	s14 =	sadd.s32 s4, s3;
	s18 =	sadd.s32 s4, s15  }
0x11: {  	s12 =	sadd.s32 s9, s1;
	s19 =	sadd.s32 s4, s21;
	s22 =	sshll.u32 s16, $0x4  }
0x12: {  	s24 =	sadd.s32 s10, s11;
	s9 =	sshll.u32 s20, $0x7;
	[dreg:$0x4] =	wrdreg s14  }
0x13: {  	s20 =	sadd.s32 s0, s15;
	s21 =	sadd.s32 s0, s21;
	[dreg:$0x5] =	wrdreg s18  }
0x14: {  	v0 =	vmov s10;
	s10 =	simm.s32 $0x4;
	s11 =	simm.s32 $0x0;
	[dreg:$0x6] =	wrdreg s19  }
0x15: {  	s14 =	sadd.s32 s13, s1;
	s17 =	sadd.s32 s4, s22;
	s23 =	sshll.u32 s24, $0x4  }
.Ltmp0:
0x16: {  	s16 =	sadd.s32 s9, s1;
	s18 =	sadd.s32 s26, s1;
	(pc) =	sbr.rel .LBB2_1-.Ltmp0, $4  }
0x17: {  	s19 =	sadd.s32 s0, s3;
	s22 =	sadd.s32 s0, s22;
	s24 =	simm.s32 $0x2800  }
0x18: {  	s26 =	simm.s32 $0x1400;
	s3 =	simm.s32 $0x100;
	s9 =	simm.s32 $0x1480  }
0x19: {  	[dreg:$0x7] =	wrdreg s17;
	s25 =	sadd.s32 s4, s23;
	s23 =	sadd.s32 s0, s23  }
0x1a: {  	s0 =	simm.s32 $0x3;
	[dreg:$0x8] =	wrdreg s25;
	s25 =	simm.s32 $0x5  }
.LBB2_9:
0x1b: {  	[bflag:$0x0] =	sbarrier.arrive $0xFFFF  }
0x1c: {  	[tilespmem:s24], [sflag:$0x5] =	stream.linear.gather [spmem:s8], $0x4000, $0x38;
	[tilespmem:$0x1E800] =	vst v63  }
0x1d: {  	_ =	swait.ge [sflag:s25], $0x4000  }
0x1e: {  	[sflag:s25] =	ssyncset.done $0x0  }
0x1f: {  	[sflag:s25] =	ssyncadd.s32 $0xFFFFC000  }
0x20: {  	[hbm4b:s19+s2] =	stream.linear.scatter [tilespmem:s24], [sflag:$0x5], $0x4000, $0x38;
	[tilespmem:$0x1E800] =	vst v63  }
0x21: {  	_ =	swait.ge [sflag:s25], $0x4000  }
0x22: {  	[sflag:s25] =	ssyncset.done $0x0  }
0x23: {  	[sflag:s25] =	ssyncadd.s32 $0xFFFFC000  }
0x24: {  	[tilespmem:s24], [sflag:$0x5] =	stream.linear.gather [spmem:s12], $0x4000, $0x38;
	[tilespmem:$0x1E800] =	vst v63  }
0x25: {  	_ =	swait.ge [sflag:s25], $0x4000  }
0x26: {  	[sflag:s25] =	ssyncset.done $0x0  }
0x27: {  	[sflag:s25] =	ssyncadd.s32 $0xFFFFC000  }
0x28: {  	[hbm4b:s20+s2] =	stream.linear.scatter [tilespmem:s24], [sflag:$0x5], $0x4000, $0x38;
	[tilespmem:$0x1E800] =	vst v63  }
0x29: {  	_ =	swait.ge [sflag:s25], $0x4000  }
0x2a: {  	[sflag:s25] =	ssyncset.done $0x0  }
0x2b: {  	[sflag:s25] =	ssyncadd.s32 $0xFFFFC000  }
0x2c: {  	[tilespmem:s24], [sflag:$0x5] =	stream.linear.gather [spmem:s14], $0x4000, $0x38;
	[tilespmem:$0x1E800] =	vst v63  }
0x2d: {  	_ =	swait.ge [sflag:s25], $0x4000  }
0x2e: {  	[sflag:s25] =	ssyncset.done $0x0  }
0x2f: {  	[sflag:s25] =	ssyncadd.s32 $0xFFFFC000  }
0x30: {  	[hbm4b:s21+s2] =	stream.linear.scatter [tilespmem:s24], [sflag:$0x5], $0x4000, $0x38;
	[tilespmem:$0x1E800] =	vst v63  }
0x31: {  	_ =	swait.ge [sflag:s25], $0x4000  }
0x32: {  	[sflag:s25] =	ssyncset.done $0x0  }
0x33: {  	[sflag:s25] =	ssyncadd.s32 $0xFFFFC000  }
0x34: {  	[tilespmem:s24], [sflag:$0x5] =	stream.linear.gather [spmem:s16], $0x4000, $0x38;
	[tilespmem:$0x1E800] =	vst v63  }
0x35: {  	_ =	swait.ge [sflag:s25], $0x4000  }
0x36: {  	[sflag:s25] =	ssyncset.done $0x0  }
0x37: {  	[sflag:s25] =	ssyncadd.s32 $0xFFFFC000  }
0x38: {  	[hbm4b:s22+s2] =	stream.linear.scatter [tilespmem:s24], [sflag:$0x5], $0x4000, $0x38;
	[tilespmem:$0x1E800] =	vst v63  }
0x39: {  	_ =	swait.ge [sflag:s25], $0x4000  }
0x3a: {  	[sflag:s25] =	ssyncset.done $0x0  }
0x3b: {  	[sflag:s25] =	ssyncadd.s32 $0xFFFFC000  }
0x3c: {  	[tilespmem:s24], [sflag:$0x5] =	stream.linear.gather [spmem:s18], $0x4000, $0x38;
	[tilespmem:$0x1E800] =	vst v63  }
0x3d: {  	_ =	swait.ge [sflag:s25], $0x4000  }
0x3e: {  	[sflag:s25] =	ssyncset.done $0x0  }
0x3f: {  	[sflag:s25] =	ssyncadd.s32 $0xFFFFC000  }
0x40: {  	[hbm4b:s23+s2] =	stream.linear.scatter [tilespmem:s24], [sflag:$0x5], $0x4000, $0x38;
	[tilespmem:$0x1E800] =	vst v63  }
0x41: {  	_ =	swait.ge [sflag:s25], $0x4000  }
0x42: {  	s11 =	sadd.s32 $0x1, s11;
	s13 =	rddreg [dreg:$0x3]  }
0x43: {  	p0 =	sne.s32 s11, s13  }
.Ltmp1:
0x44: {  	_ = 	snop;
	(pc) =	sbr.rel @!p0 .LBB2_10-.Ltmp1, $3  }
0x45: {  	_ =	sdelay $0x1  }
0x46: {  	[sflag:s25] =	ssyncset.done $0x0  }
0x47: {  	[sflag:s25] =	ssyncadd.s32 $0xFFFFC000  }
.LBB2_1:
0x48: {  	s13 =	rddreg [dreg:$0x4]  }
0x49: {  	[tilespmem:s24], [sflag:$0x5] =	stream.linear.gather [hbm4b:s13+s2], $0x4000, $0x38;
	[tilespmem:$0x1E800] =	vst v63  }
0x4a: {  	_ =	swait.ge [sflag:s25], $0x4000  }
0x4b: {  	[sflag:s25] =	ssyncset.done $0x0  }
0x4c: {  	[sflag:s25] =	ssyncadd.s32 $0xFFFFC000  }
0x4d: {  	[spmem:s8] =	stream.linear.scatter [tilespmem:s24], [sflag:$0x5], $0x4000, $0x38;
	[tilespmem:$0x1E800] =	vst v63  }
0x4e: {  	_ =	swait.ge [sflag:s25], $0x4000  }
0x4f: {  	[sflag:s25] =	ssyncset.done $0x0  }
0x50: {  	s15 =	rddreg [dreg:$0x5];
	[sflag:s25] =	ssyncadd.s32 $0xFFFFC000  }
0x51: {  	[tilespmem:s24], [sflag:$0x5] =	stream.linear.gather [hbm4b:s15+s2], $0x4000, $0x38;
	[tilespmem:$0x1E800] =	vst v63  }
0x52: {  	_ =	swait.ge [sflag:s25], $0x4000  }
0x53: {  	[sflag:s25] =	ssyncset.done $0x0  }
0x54: {  	[sflag:s25] =	ssyncadd.s32 $0xFFFFC000  }
0x55: {  	[spmem:s12] =	stream.linear.scatter [tilespmem:s24], [sflag:$0x5], $0x4000, $0x38;
	[tilespmem:$0x1E800] =	vst v63  }
0x56: {  	_ =	swait.ge [sflag:s25], $0x4000  }
0x57: {  	[sflag:s25] =	ssyncset.done $0x0  }
0x58: {  	s17 =	rddreg [dreg:$0x6];
	[sflag:s25] =	ssyncadd.s32 $0xFFFFC000  }
0x59: {  	[tilespmem:s24], [sflag:$0x5] =	stream.linear.gather [hbm4b:s17+s2], $0x4000, $0x38;
	[tilespmem:$0x1E800] =	vst v63  }
0x5a: {  	_ =	swait.ge [sflag:s25], $0x4000  }
0x5b: {  	[sflag:s25] =	ssyncset.done $0x0  }
0x5c: {  	[sflag:s25] =	ssyncadd.s32 $0xFFFFC000  }
0x5d: {  	[spmem:s14] =	stream.linear.scatter [tilespmem:s24], [sflag:$0x5], $0x4000, $0x38;
	[tilespmem:$0x1E800] =	vst v63  }
0x5e: {  	_ =	swait.ge [sflag:s25], $0x4000  }
0x5f: {  	[sflag:s25] =	ssyncset.done $0x0  }
0x60: {  	s15 =	rddreg [dreg:$0x7];
	[sflag:s25] =	ssyncadd.s32 $0xFFFFC000  }
0x61: {  	[tilespmem:s24], [sflag:$0x5] =	stream.linear.gather [hbm4b:s15+s2], $0x4000, $0x38;
	[tilespmem:$0x1E800] =	vst v63  }
0x62: {  	_ =	swait.ge [sflag:s25], $0x4000  }
0x63: {  	[sflag:s25] =	ssyncset.done $0x0  }
0x64: {  	[sflag:s25] =	ssyncadd.s32 $0xFFFFC000  }
0x65: {  	[spmem:s16] =	stream.linear.scatter [tilespmem:s24], [sflag:$0x5], $0x4000, $0x38;
	[tilespmem:$0x1E800] =	vst v63  }
0x66: {  	_ =	swait.ge [sflag:s25], $0x4000  }
0x67: {  	[sflag:s25] =	ssyncset.done $0x0  }
0x68: {  	s17 =	rddreg [dreg:$0x8];
	[sflag:s25] =	ssyncadd.s32 $0xFFFFC000  }
0x69: {  	[tilespmem:s24], [sflag:$0x5] =	stream.linear.gather [hbm4b:s17+s2], $0x4000, $0x38;
	[tilespmem:$0x1E800] =	vst v63  }
0x6a: {  	_ =	swait.ge [sflag:s25], $0x4000  }
0x6b: {  	[sflag:s25] =	ssyncset.done $0x0  }
0x6c: {  	[sflag:s25] =	ssyncadd.s32 $0xFFFFC000  }
0x6d: {  	[spmem:s18] =	stream.linear.scatter [tilespmem:s24], [sflag:$0x5], $0x4000, $0x38;
	[tilespmem:$0x1E800] =	vst v63  }
.Ltmp2:
0x6e: {  	_ =	swait.ge [sflag:s25], $0x4000;
	(pc) =	sbr.rel .LBB2_2-.Ltmp2, $4  }
0x6f: {  	[sflag:s25] =	ssyncset.done $0x0  }
0x70: {  	[sflag:s25] =	ssyncadd.s32 $0xFFFFC000  }
0x71: {  	[bflag:$0x0] =	sbarrier.arrive $0xFFFF  }
0x72: {  	p1 =	por $0x1, $0x1;
	s13 =	simm.s32 $0x0  }
.LBB2_6:
0x73: {  	s13 =	sadd.s32 $0x1580, s15  }
0x74: {  	[spmem:s1] =	stream.indirect.scatter.add.bf16 [tilespmem:s30], [sflag:$0x4], $0x80, s13, s28, $0xb8;
	[tilespmem:$0x1E800] =	vst v63  }
.LBB2_8:
.Ltmp3:
0x75: {  	(pc) =	sbr.rel @!p0 .LBB2_9-.Ltmp3, $4  }
0x76: {  	_ = 	snop  }
0x77: {  	_ =	swait.ge [sflag:s10], $0x4000  }
0x78: {  	[sflag:s10] =	ssyncset.done $0x0  }
0x79: {  	s13 =	simm.s32 $0x28;
	p1 =	por $0x0, $0x0;
	[sflag:s10] =	ssyncadd.s32 $0xFFFFC000  }
.LBB2_2:
0x7a: {  	s13 =	sadd.s32 s7, s13  }
0x7b: {  	s13 =	sshll.u32 s13, $0x4  }
0x7c: {  	s15 =	sadd.s32 s5, s13  }
0x7d: {  	[tilespmem:s2], [sflag:$0x5] =	stream.linear.gather [hbm4b:s15+s2], $0x1400, $0x38;
	[tilespmem:$0x1E800] =	vst v63  }
0x7e: {  	_ =	swait.ge [sflag:s25], $0x1400  }
0x7f: {  	[sflag:s25] =	ssyncset.done $0x0  }
0x80: {  	s13 =	sadd.s32 s6, s13;
	[sflag:s25] =	ssyncadd.s32 $0xFFFFEC00  }
0x81: {  	[tilespmem:s26], [sflag:$0x5] =	stream.linear.gather [hbm4b:s13+s2], $0x1400, $0x38;
	[tilespmem:$0x1E800] =	vst v63  }
0x82: {  	_ =	swait.ge [sflag:s25], $0x1400  }
0x83: {  	[sflag:s25] =	ssyncset.done $0x0  }
0x84: {  	s13 =	simm.s32 $0x70;
	[sflag:s25] =	ssyncadd.s32 $0xFFFFEC00  }
0x85: {  	v3 =	vld [tilespmem:s13+$0xFFFFFF90]  }
0x86: {  	v5 =	vld [tilespmem:s13+$0xFFFFFFA0]  }
0x87: {  	v4 =	vld [tilespmem:s13+$0xFFFFFFB0]  }
0x88: {  	v2 =	vld [tilespmem:s13+$0xFFFFFFC0]  }
0x89: {  	v1 =	vld [tilespmem:s13+$0xFFFFFFD0]  }
0x8a: {  	p0 =	por p1, p1;
	s15 =	simm.s32 $0x3C0;
	v6 =	vadd.s32 v0, v3;
	v3 =	vld [tilespmem:s13+$0xFFFFFFE0]  }
.LBB2_3:
0x8b: {  	p1 =	sne.s32 s15, $0x4FC0;
	[tilespmem:s13+$0xFFFFFF90] =	vst v6;
	v5 =	vadd.s32 v0, v5;
	v6 =	vld [tilespmem:s13+$0x0]  }
0x8c: {  	s17 =	sshra.s32 s15, $0x2;
	[tilespmem:s13+$0xFFFFFFA0] =	vst v5;
	v4 =	vadd.s32 v0, v4;
	v7 =	vld [tilespmem:s13+$0xFFFFFFF0]  }
0x8d: {  	v8 =	vld [tilespmem:s17+$0xFFFFFF90];
	[tilespmem:s13+$0xFFFFFFB0] =	vst v4;
	v2 =	vadd.s32 v0, v2  }
.Ltmp4:
0x8e: {  	v5 =	vld [tilespmem:s17+$0xFFFFFFA0];
	[tilespmem:s13+$0xFFFFFFC0] =	vst v2;
	v1 =	vadd.s32 v0, v1;
	(pc) =	sbr.rel @p1 .LBB2_3-.Ltmp4, $4  }
0x8f: {  	v4 =	vld [tilespmem:s17+$0xFFFFFFB0];
	[tilespmem:s13+$0xFFFFFFD0] =	vst v1;
	v1 =	vadd.s32 v0, v3  }
0x90: {  	v2 =	vld [tilespmem:s17+$0xFFFFFFC0];
	[tilespmem:s13+$0xFFFFFFE0] =	vst v1;
	v3 =	vadd.s32 v0, v6  }
0x91: {  	v1 =	vld [tilespmem:s17+$0xFFFFFFD0];
	v7 =	vadd.s32 v0, v7;
	[tilespmem:s13+$0x0] =	vst v3  }
0x92: {  	s15 =	sadd.s32 $0x200, s15;
	v6 =	vadd.s32 v0, v8;
	v3 =	vld [tilespmem:s17+$0xFFFFFFE0];
	[tilespmem:s13+$0xFFFFFFF0] =	vst v7;
	s13 =	smov.u32 s17  }
0x93: {  	[tilespmem:s13+$0xFFFFFF90] =	vst v6;
	v5 =	vadd.s32 v0, v5;
	v62 =	vld [tilespmem:s13+$0x0]  }
0x94: {  	v63 =	vld [tilespmem:s13+$0xFFFFFFF0];
	[tilespmem:s13+$0xFFFFFFA0] =	vst v5;
	v4 =	vadd.s32 v0, v4  }
0x95: {  	[tilespmem:s13+$0xFFFFFFB0] =	vst v4;
	v2 =	vadd.s32 v0, v2  }
0x96: {  	[tilespmem:s13+$0xFFFFFFC0] =	vst v2;
	v1 =	vadd.s32 v0, v1  }
0x97: {  	[tilespmem:s13+$0xFFFFFFD0] =	vst v1;
	v1 =	vadd.s32 v0, v3  }
0x98: {  	[tilespmem:s13+$0xFFFFFFE0] =	vst v1;
	v1 =	vadd.s32 v0, v62  }
0x99: {  	v2 =	vadd.s32 v0, v63;
	[tilespmem:s13+$0x0] =	vst v1  }
0x9a: {  	[tilespmem:s13+$0xFFFFFFF0] =	vst v2;
	s13 =	simm.s32 $0x0  }
0x9b: {  	[tilespmem:s24], [sflag:$0x1] =	stream.indirect.gather [hbm4b:s4+s28], $0x80, s13, s28, $0xb8;
	[tilespmem:$0x1E800] =	vst v63  }
0x9c: {  	_ =	swait.ge [sflag:s29], $0x4000  }
0x9d: {  	[sflag:s29] =	ssyncset.done $0x0  }
0x9e: {  	[sflag:s29] =	ssyncadd.s32 $0xFFFFC000  }
0x9f: {  	[tilespmem:s30], [sflag:$0x2] =	stream.indirect.gather [hbm4b:s4+s28], $0x80, s28, s28, $0xb8;
	[tilespmem:$0x1E800] =	vst v63  }
0xa0: {  	_ = 	snop  }
0xa1: {  	[spmem:s1] =	stream.indirect.scatter.add.bf16 [tilespmem:s24], [sflag:$0x3], $0x80, s26, s28, $0xb8;
	[tilespmem:$0x1E800] =	vst v63  }
0xa2: {  	_ =	swait.ge [sflag:s31], $0x4000  }
0xa3: {  	[sflag:s31] =	ssyncset.done $0x0  }
0xa4: {  	[sflag:s31] =	ssyncadd.s32 $0xFFFFC000  }
0xa5: {  	_ =	swait.ge [sflag:s0], $0x4000  }
0xa6: {  	[sflag:s0] =	ssyncset.done $0x0  }
0xa7: {  	[sflag:s0] =	ssyncadd.s32 $0xFFFFC000  }
0xa8: {  	[tilespmem:s24], [sflag:$0x1] =	stream.indirect.gather [hbm4b:s4+s28], $0x80, s3, s28, $0xb8;
	[tilespmem:$0x1E800] =	vst v63  }
0xa9: {  	_ = 	snop  }
0xaa: {  	[spmem:s1] =	stream.indirect.scatter.add.bf16 [tilespmem:s30], [sflag:$0x4], $0x80, s9, s28, $0xb8;
	[tilespmem:$0x1E800] =	vst v63  }
.LBB2_5:
0xab: {  	_ =	swait.ge [sflag:s29], $0x4000  }
0xac: {  	[sflag:s29] =	ssyncset.done $0x0  }
0xad: {  	[sflag:s29] =	ssyncadd.s32 $0xFFFFC000  }
0xae: {  	_ =	swait.ge [sflag:s10], $0x4000  }
0xaf: {  	s15 =	sshra.s32 s13, $0x2;
	[sflag:s10] =	ssyncset.done $0x0  }
0xb0: {  	s17 =	sadd.s32 $0x180, s15;
	[sflag:s10] =	ssyncadd.s32 $0xFFFFC000  }
0xb1: {  	[tilespmem:s30], [sflag:$0x2] =	stream.indirect.gather [hbm4b:s4+s28], $0x80, s17, s28, $0xb8;
	[tilespmem:$0x1E800] =	vst v63  }
0xb2: {  	s17 =	sadd.s32 $0x1500, s15  }
0xb3: {  	[spmem:s1] =	stream.indirect.scatter.add.bf16 [tilespmem:s24], [sflag:$0x3], $0x80, s17, s28, $0xb8;
	[tilespmem:$0x1E800] =	vst v63  }
0xb4: {  	p1 =	sne.s32 s13, $0x4800;
	_ =	swait.ge [sflag:s31], $0x4000  }
.Ltmp5:
0xb5: {  	[sflag:s31] =	ssyncset.done $0x0;
	(pc) =	sbr.rel @!p1 .LBB2_6-.Ltmp5, $4  }
0xb6: {  	[sflag:s31] =	ssyncadd.s32 $0xFFFFC000  }
0xb7: {  	_ =	swait.ge [sflag:s0], $0x4000  }
0xb8: {  	[sflag:s0] =	ssyncset.done $0x0  }
0xb9: {  	[sflag:s0] =	ssyncadd.s32 $0xFFFFC000  }
0xba: {  	s13 =	sadd.s32 $0x400, s13  }
0xbb: {  	p1 =	sne.s32 s13, $0x4C00  }
.Ltmp6:
0xbc: {  	_ = 	snop;
	(pc) =	sbr.rel @p1 .LBB2_5-.Ltmp6, $4  }
.Ltmp7:
0xbd: {  	s17 =	sadd.s32 $0x200, s15;
	(pc) =	sbr.rel @!p1 .LBB2_8-.Ltmp7, $4  }
0xbe: {  	[tilespmem:s24], [sflag:$0x1] =	stream.indirect.gather [hbm4b:s4+s28], $0x80, s17, s28, $0xb8;
	[tilespmem:$0x1E800] =	vst v63  }
0xbf: {  	s17 =	sadd.s32 $0x1580, s15  }
0xc0: {  	[spmem:s1] =	stream.indirect.scatter.add.bf16 [tilespmem:s30], [sflag:$0x4], $0x80, s17, s28, $0xb8;
	[tilespmem:$0x1E800] =	vst v63  }
0xc1: {  	_ = 	snop  }
.LBB2_10:
0xc2: {  	_ =	sfence.sel $0x180000  }
0xc3: {  	[bflag:$0x0] =	sbarrier.arrive $0xFFFF  }
0xc4: {  	_ =	strace $0x9000004A  }
0xc5: {  	s0 =	stileid.u32;
	[bflag:$0x2] =	sbarrier.arrive $0xFFFF  }
0xc6: {  	p0 =	sne.s32 s0, $0x0;
	s0 =	rddreg [dreg:$0x2]  }
0xc7: {  	s0 =	sadd.s32 @!p0 $0x100000, s0  }
0xc8: {  	[sflag:s0] =	ssyncadd.tile.s32 @!p0 $0x1;
	_ =	shalt  }
.Lfunc_end2:
_tile_overlayer_lowered:
.L_overlay_start_2:
0xc9: {  	(tag) =	ssettag $0x2  }
0xca: {  	s0 =	rddreg [dreg:$0x0];
	s2 =	stileid.u32  }
0xcb: {  	s1 =	rddreg [dreg:$0x1];
	p0 =	sne.s32 s2, $0x0  }
0xcc: {  	s3 =	rddreg [dreg:$0x2];
	[bflag:$0x3] =	sbarrier.arrive $0xFFFF;
	s2 =	simm.s32 @!p0 $0x1C05  }
0xcd: {  	[timem:s3], [sflag:s2] =	dma.local @!p0 [hbm:s0], s1  }
0xce: {  	s0 =	simm.s32 @!p0 $0x5  }
0xcf: {  	_ =	swait.ge @!p0 [sflag:s0], s1  }
0xd0: {  	s1 =	ssub.s32 @!p0 $0x0, s1;
	[sflag:s0] =	ssyncset.done @!p0 $0x0  }
0xd1: {  	[sflag:s0] =	ssyncadd.s32 @!p0 s1  }
0xd2: {  	[bflag:$0x3] =	sbarrier.arrive $0xFFFF  }
0xd3: {  	_ =	shalt  }

// kernel: kernel.14.cloned.1.call-start
scs
__scs_entry_jumppad:
0x0: {  	(pc) =	sbr.rel $0x88, $3  }
0x1: {  	(tag) =	ssettag $0x0;
	lr =	simm.s32 $0x1  }
0x2: {  	[smem:$0x3F96] =	sst lr;
	_ =	strace $0xD0000000  }
0x3: {  	_ = 	snop  }
0x4: {  	_ = 	snop  }
0x5: {  	_ = 	snop  }
0x6: {  	_ = 	snop  }
0x7: {  	_ = 	snop  }
__scs_overlays_trampoline_lowered:
0x8: {  	[smem:$0x3FA5] =	sst s0  }
0x9: {  	[smem:$0x3FA6] =	sst s1  }
0xa: {  	[smem:$0x3FA7] =	sst s2  }
0xb: {  	[smem:$0x3FA8] =	sst s3  }
0xc: {  	[smem:$0x3FA9] =	sst s4  }
0xd: {  	[smem:$0x3FAA] =	sst s5  }
0xe: {  	[smem:$0x3FAB] =	sst s6  }
0xf: {  	[smem:$0x3FAC] =	sst s7  }
0x10: {  	[smem:$0x3FAD] =	sst s8  }
0x11: {  	[smem:$0x3FAE] =	sst s9;
	s0 =	simm.s32 @!p0 $0x0  }
0x12: {  	s1 =	sld [smem:$0x3F94];
	s0 =	simm.s32 @p0 $0x1  }
0x13: {  	[smem:$0x3FAF] =	sst s0;
	s0 =	simm.s32 @!p1 $0x0  }
0x14: {  	s2 =	sld [smem:$0x3F93];
	s0 =	simm.s32 @p1 $0x1  }
0x15: {  	[smem:$0x3FB0] =	sst s0;
	s0 =	simm.s32 @!p2 $0x0  }
0x16: {  	s3 =	sld [smem:$0x3FDB];
	s0 =	simm.s32 @p2 $0x1  }
0x17: {  	s4 =	simm.s32 $0x1BF5;
	[smem:$0x3FB2] =	sst s0  }
0x18: {  	s0 =	sld [smem:$0x3F95];
	_ =	swait.ge [sflag:s4], $0x0  }
0x19: {  	s7 =	sld [smem:$0x3F96]  }
0x1a: {  	s8 =	sadd.s32 $0xFFFFE003, lr  }
0x1b: {  	s9 =	sadd.s32 $0xFFFFFEF7, lr;
	s5 =	simm.s32 $0xFFFFFFFF;
	p2 =	slt.u32 s8, $0xFFFFF086  }
0x1c: {  	p1 =	slt.u32 s9, $0xF7A;
	s5 =	simm.s32 @!p2 $0x0  }
0x1d: {  	s5 =	simm.s32 @p1 $0x1;
	p0 =	seq.s32 s7, s2  }
0x1e: {  	s7 =	smul.u32 @!p0 $0xF7A, s2;
	p2 =	seq.s32 @!p0 s5, $0x0  }
0x1f: {  	s9 =	smul.u32 $0xF7A, s1;
	s8 =	simm.s32 @!p0 $0x1BF5;
	p2 =	por !p2, p0  }
0x20: {  	[sflag:s8] =	ssyncset.s32 @!p0 $0xFFFFF086;
	s6 =	sadd.s32 @!p0 s3, s7;
	s7 =	simm.s32 @!p0 $0x108  }
0x21: {  	s3 =	sadd.s32 s3, s9;
	s6 =	sadd.s32 @!p0 $0x88, s6;
	s7 =	simm.s32 @p2 $0x1082  }
0x22: {  	[simem:s7], [sflag:s8] =	dma.local @!p0 [hbm:s6], $0xF7A  }
0x23: {  	s9 =	sor.u32 $0xD0000000, s2;
	s6 =	simm.s32 $0x108;
	_ =	swait.ge @!p0 [sflag:s8], $0x0  }
0x24: {  	s3 =	sadd.s32 $0x88, s3;
	s6 =	simm.s32 @!p1 $0x1082;
	[sflag:s4] =	ssyncset.s32 $0xFFFFF086  }
0x25: {  	[simem:s6], [sflag:s4] =	dma.local [hbm:s3], $0xF7A  }
0x26: {  	[smem:$0x3F96] =	sst s1;
	(tag) =	ssettag s2;
	_ =	strace s9  }
0x27: {  	s1 =	sld [smem:$0x3FA6]  }
0x28: {  	s2 =	sld [smem:$0x3FA7]  }
0x29: {  	s4 =	sld [smem:$0x3FA9]  }
0x2a: {  	p0 =	seq.s32 s5, $0x0;
	s5 =	sld [smem:$0x3FAA]  }
0x2b: {  	s6 =	sld [smem:$0x3FAB]  }
0x2c: {  	s7 =	sld [smem:$0x3FAC]  }
0x2d: {  	s3 =	simm.s32 $0x108;
	s8 =	sld [smem:$0x3FAD]  }
0x2e: {  	s3 =	simm.s32 @!p0 $0x1082;
	s9 =	sld [smem:$0x3FAE]  }
0x2f: {  	lr =	sadd.s32 s0, s3;
	s0 =	sld [smem:$0x3FA5]  }
0x30: {  	s3 =	sld [smem:$0x3FA8]  }
0x31: {  	[smem:$0x3FB1] =	sst s10  }
0x32: {  	s10 =	sld [smem:$0x3FAF];
	_ =	sdelay $0x3  }
0x33: {  	p0 =	seq.s32 s10, $0x1;
	s10 =	sld [smem:$0x3FB1];
	_ =	sdelay $0x3  }
0x34: {  	[smem:$0x3FB1] =	sst s10  }
0x35: {  	s10 =	sld [smem:$0x3FB0];
	_ =	sdelay $0x3  }
0x36: {  	p1 =	seq.s32 s10, $0x1;
	s10 =	sld [smem:$0x3FB1];
	_ =	sdelay $0x3  }
0x37: {  	[smem:$0x3FB1] =	sst s10  }
0x38: {  	s10 =	sld [smem:$0x3FB2]  }
0x39: {  	_ = 	snop;
	(pc) =	sbr.ind lr, $3  }
0x3a: {  	_ = 	snop  }
0x3b: {  	_ = 	snop  }
0x3c: {  	p2 =	seq.s32 s10, $0x1;
	s10 =	sld [smem:$0x3FB1]  }
0x3d: {  	_ =	shalt  }
0x3e: {  	_ =	shalt  }
0x3f: {  	_ =	shalt  }
0x40: {  	_ =	shalt  }
0x41: {  	_ =	shalt  }
0x42: {  	_ =	shalt  }
0x43: {  	_ =	shalt  }
0x44: {  	_ =	shalt  }
0x45: {  	_ =	shalt  }
0x46: {  	_ =	shalt  }
0x47: {  	_ =	shalt  }
0x48: {  	_ =	shalt  }
0x49: {  	_ =	shalt  }
0x4a: {  	_ =	shalt  }
0x4b: {  	_ =	shalt  }
0x4c: {  	_ =	shalt  }
0x4d: {  	_ =	shalt  }
0x4e: {  	_ =	shalt  }
0x4f: {  	_ =	shalt  }
0x50: {  	_ =	shalt  }
0x51: {  	_ =	shalt  }
0x52: {  	_ =	shalt  }
0x53: {  	_ =	shalt  }
0x54: {  	_ =	shalt  }
0x55: {  	_ =	shalt  }
0x56: {  	_ =	shalt  }
0x57: {  	_ =	shalt  }
0x58: {  	_ =	shalt  }
0x59: {  	_ =	shalt  }
0x5a: {  	_ =	shalt  }
0x5b: {  	_ =	shalt  }
0x5c: {  	_ =	shalt  }
0x5d: {  	_ =	shalt  }
0x5e: {  	_ =	shalt  }
0x5f: {  	_ =	shalt  }
0x60: {  	_ =	shalt  }
0x61: {  	_ =	shalt  }
0x62: {  	_ =	shalt  }
0x63: {  	_ =	shalt  }
0x64: {  	_ =	shalt  }
0x65: {  	_ =	shalt  }
0x66: {  	_ =	shalt  }
0x67: {  	_ =	shalt  }
0x68: {  	_ =	shalt  }
0x69: {  	_ =	shalt  }
0x6a: {  	_ =	shalt  }
0x6b: {  	_ =	shalt  }
0x6c: {  	_ =	shalt  }
0x6d: {  	_ =	shalt  }
0x6e: {  	_ =	shalt  }
0x6f: {  	_ =	shalt  }
0x70: {  	_ =	shalt  }
0x71: {  	_ =	shalt  }
0x72: {  	_ =	shalt  }
0x73: {  	_ =	shalt  }
0x74: {  	_ =	shalt  }
0x75: {  	_ =	shalt  }
0x76: {  	_ =	shalt  }
0x77: {  	_ =	shalt  }
0x78: {  	_ =	shalt  }
0x79: {  	_ =	shalt  }
0x7a: {  	_ =	shalt  }
0x7b: {  	_ =	shalt  }
0x7c: {  	_ =	shalt  }
0x7d: {  	_ =	shalt  }
0x7e: {  	_ =	shalt  }
0x7f: {  	_ =	shalt  }
0x80: {  	_ =	shalt  }
0x81: {  	_ =	shalt  }
0x82: {  	_ =	shalt  }
0x83: {  	_ =	shalt  }
0x84: {  	_ =	shalt  }
0x85: {  	_ =	shalt  }
0x86: {  	_ =	shalt  }
0x87: {  	_ =	shalt  }
.Lfunc_end0:
.L_simem_size_0:
called_computation.2_lowered:
.L_overlay_start_0:
0x88: {  	s2 =	sld [smem:$0x3FD9]  }
0x89: {  	s3 =	sld [smem:$0x3FFE];
	_ =	sdelay $0x1  }
0x8a: {  	s1 =	srdreg.scid  }
0x8b: {  	s0 =	sand.u32 $0x1, s1  }
0x8c: {  	s16 =	sshll.u32 s0, $0xA;
	s2 =	sadd.s32 s3, s2  }
0x8d: {  	s2 =	sadd.s32 s2, s16  }
0x8e: {  	[smem:$0x3FBD] =	sst s2  }
0x8f: {  	_ = 	snop  }
0x90: {  	(tm) =	ssettm $0x1  }
0x91: {  	s17 =	sld [smem:$0x3FFB];
	_ =	sdelay $0x3  }
0x92: {  	_ =	strace s17  }
0x93: {  	s2 =	sld [smem:$0x3FFC];
	_ =	sdelay $0x3  }
0x94: {  	_ =	strace s2  }
0x95: {  	s2 =	sld [smem:$0x3FFD];
	_ =	sdelay $0x3  }
0x96: {  	_ =	strace s2  }
0x97: {  	_ =	strace $0x8FFFFFFF  }
0x98: {  	s18 =	sld [smem:$0x3FDB];
	_ =	sdelay $0x1  }
0x99: {  	s19 =	simm.s32 $_scs_section_size  }
0x9a: {  	s4 =	simm.s32 $_size__tile_overlayer_lowered;
	s5 =	simm.s32 $_tile_overlayer_lowered  }
0x9b: {  	s22 =	simm.s32 $0x1BFF;
	s21 =	sshll.u32 s5, $0x1;
	s2 =	sadd.s32 s19, s18  }
0x9c: {  	s6 =	simm.s32 $0x0;
	s20 =	sshll.u32 s4, $0x1;
	s4 =	sadd.s32 s21, s2  }
0x9d: {  	[timem:s6], [sflag:s22] =	dma.local [hbm:s4], s20  }
0x9e: {  	_ =	swait.ge [sflag:s22], s20  }
0x9f: {  	s3 =	ssub.s32 $0x0, s20;
	[sflag:s22] =	ssyncset.done $0x0  }
0xa0: {  	[sflag:s22] =	ssyncadd.s32 s3;
	_ =	sdelay $0x1  }
0xa1: {  	s23 =	simm.s32 $0x1B8B  }
0xa2: {  	_ =	swait.ge [sflag:s23], $0x1  }
0xa3: {  	[sflag:s23] =	ssyncset.done $0x0  }
0xa4: {  	s25 =	simm.s32 $0x1B8E;
	s24 =	sld [smem:$0x3FFE];
	[sflag:s23] =	ssyncadd.s32 $0xFFFFFFFF  }
0xa5: {  	s26 =	simm.s32 $execute0_lowered;
	[smem:$0x3FD2] =	sst s25  }
0xa6: {  	s4 =	sshll.u32 s26, $0x1;
	_ =	strace $0x8000004C;
	[dreg:$0x1] =	wrdreg $0xFFFFFFFF  }
0xa7: {  	s28 =	simm.s32 $_size_execute0_lowered;
	s2 =	sadd.s32 s2, s4;
	[dreg:$0x0] =	wrdreg $0x0  }
0xa8: {  	s4 =	sshll.u32 s28, $0x1;
	[dreg:$0x2] =	wrdreg s2  }
0xa9: {  	[dreg:$0x3] =	wrdreg s4  }
0xaa: {  	[dreg:$0x4] =	wrdreg $0xC0  }
0xab: {  	_ =	task [dreg:s6], $0x5FFFF  }
0xac: {  	[dreg:$0x1] =	wrdreg $0xFFFFFFFF  }
0xad: {  	[dreg:$0x0] =	wrdreg $0x60  }
0xae: {  	[dreg:$0x2] =	wrdreg s24  }
0xaf: {  	[dreg:$0x3] =	wrdreg $0xA8000  }
0xb0: {  	[dreg:$0x4] =	wrdreg $0x9  }
0xb1: {  	_ =	task.clear_ibuf [dreg:s6], $0x5FFFF;
	_ =	strace $0x9000004C  }
0xb2: {  	s29 =	simm.s32 $0x9;
	_ =	strace $0x8000004E  }
0xb3: {  	_ =	swait.ge [sflag:s29], $0x1  }
0xb4: {  	[sflag:s29] =	ssyncadd.s32 $0xFFFFFFFF  }
0xb5: {  	_ =	strace $0x9000004E  }
0xb6: {  	_ =	sfence  }
0xb7: {  	s30 =	sld [smem:$0x0];
	_ =	sdelay $0x2  }
0xb8: {  	s31 =	sshll.u32 s1, $0xD;
	s1 =	sshrl.u32 s1, $0x2  }
0xb9: {  	s3 =	sand.u32 $0x4000, s31;
	s1 =	sadd.s32 s1, s30  }
0xba: {  	s0 =	sor.u32 s3, s0;
	s1 =	sshll.u32 s1, $0x11  }
0xbb: {  	s0 =	sor.u32 s1, s0  }
0xbc: {  	s0 =	sadd.s32 $0x8F2B, s0  }
0xbd: {  	[sflag:s0] =	ssyncadd.remote.s32 $0x1  }
0xbe: {  	_ =	sfence.sel $0xFFFF  }
0xbf: {  	[dreg:$0x0] =	wrdreg $0xFFFFFFFF;
	(pc) =	sbr.abs _section_cstart, $3  }
0xc0: {  	[dreg:$0x1] =	wrdreg $0xFFFFFFFF  }
0xc1: {  	_ =	task.clear_ibuf [dreg:s6], $0x2FFFF;
	_ =	strace $0x9FFFFFFF  }
0xc2: {  	(tm) =	ssettm $0x7FFFFFFF  }
0xc3: {  	_ =	shalt  }
tec
execute0_lowered:
.L_overlay_start_1:
0x0: {  	(tag) =	ssettag $0x1  }
0x1: {  	s0 =	rddreg [dreg:$0x0]  }
0x2: {  	s1 =	rddreg [dreg:$0x1];
	s2 =	simm.s32 $0x0  }
0x3: {  	s3 =	srdreg.scid;
	s12 =	stileid.u32;
	s28 =	simm.s32 $0x80  }
0x4: {  	s29 =	simm.s32 $0x1;
	s30 =	simm.s32 $0x6800;
	s31 =	simm.s32 $0x2  }
0x5: {  	[smem:$0x7FF] =	sst s2;
	s4 =	sadd.s32 $0x21400, s0;
	s5 =	sadd.s32 $0x17400, s0  }
0x6: {  	s6 =	sadd.s32 $0xC800, s0;
	s3 =	sand.u32 $0x1, s3;
	s8 =	smul.u32 $0x50000, s12  }
0x7: {  	s0 =	sadd.s32 $0x71400, s0;
	s11 =	smul.u32 $0x280, s12;
	_ =	strace $0x8000004D  }
0x8: {  	s7 =	ssub.s32 $0x2, s3;
	s10 =	smul.u32 $0x2800, s3;
	s3 =	sshll.u32 s3, $0x4  }
0x9: {  	s9 =	sshrl.u32 s7, $0x1;
	s3 =	sor.u32 s12, s3;
	s8 =	sshrl.u32 s8, $0x2  }
0xa: {  	s26 =	sadd.s32 $0x80, s11;
	s13 =	sadd.s32 $0x100, s11;
	s20 =	sadd.s32 $0x180, s11  }
0xb: {  	s9 =	ssub.s32 s7, s9;
	s7 =	smul.u32 $0x50, s3;
	s8 =	sadd.s32 s8, s1  }
0xc: {  	s25 =	sadd.s32 s10, s11;
	s16 =	sadd.s32 s10, s26;
	s17 =	sadd.s32 s10, s13  }
0xd: {  	s13 =	sshll.u32 s13, $0x7;
	s11 =	sadd.s32 $0x200, s11;
	s24 =	smax.u32 s9, $0x1  }
0xe: {  	s3 =	sshll.u32 s25, $0x4;
	s15 =	sshll.u32 s16, $0x4;
	s9 =	sshll.u32 s26, $0x7  }
0xf: {  	s21 =	sshll.u32 s17, $0x4;
	s16 =	sadd.s32 s10, s20;
	s26 =	sshll.u32 s11, $0x7  }
0x10: {  	[dreg:$0x3] =	wrdreg s24;
	s14 =	sadd.s32 s4, s3;
	s18 =	sadd.s32 s4, s15  }
0x11: {  	s12 =	sadd.s32 s9, s1;
	s19 =	sadd.s32 s4, s21;
	s22 =	sshll.u32 s16, $0x4  }
0x12: {  	s24 =	sadd.s32 s10, s11;
	s9 =	sshll.u32 s20, $0x7;
	[dreg:$0x4] =	wrdreg s14  }
0x13: {  	s20 =	sadd.s32 s0, s15;
	s21 =	sadd.s32 s0, s21;
	[dreg:$0x5] =	wrdreg s18  }
0x14: {  	v0 =	vmov s10;
	s10 =	simm.s32 $0x4;
	s11 =	simm.s32 $0x0;
	[dreg:$0x6] =	wrdreg s19  }
0x15: {  	s14 =	sadd.s32 s13, s1;
	s17 =	sadd.s32 s4, s22;
	s23 =	sshll.u32 s24, $0x4  }
.Ltmp0:
0x16: {  	s16 =	sadd.s32 s9, s1;
	s18 =	sadd.s32 s26, s1;
	(pc) =	sbr.rel .LBB2_1-.Ltmp0, $4  }
0x17: {  	s19 =	sadd.s32 s0, s3;
	s22 =	sadd.s32 s0, s22;
	s24 =	simm.s32 $0x2800  }
0x18: {  	s26 =	simm.s32 $0x1400;
	s3 =	simm.s32 $0x100;
	s9 =	simm.s32 $0x1480  }
0x19: {  	[dreg:$0x7] =	wrdreg s17;
	s25 =	sadd.s32 s4, s23;
	s23 =	sadd.s32 s0, s23  }
0x1a: {  	s0 =	simm.s32 $0x3;
	[dreg:$0x8] =	wrdreg s25;
	s25 =	simm.s32 $0x5  }
.LBB2_9:
0x1b: {  	[bflag:$0x0] =	sbarrier.arrive $0xFFFF  }
0x1c: {  	[tilespmem:s24], [sflag:$0x5] =	stream.linear.gather [spmem:s8], $0x4000, $0x38;
	[tilespmem:$0x1E800] =	vst v63  }
0x1d: {  	_ =	swait.ge [sflag:s25], $0x4000  }
0x1e: {  	[sflag:s25] =	ssyncset.done $0x0  }
0x1f: {  	[sflag:s25] =	ssyncadd.s32 $0xFFFFC000  }
0x20: {  	[hbm4b:s19+s2] =	stream.linear.scatter [tilespmem:s24], [sflag:$0x5], $0x4000, $0x38;
	[tilespmem:$0x1E800] =	vst v63  }
0x21: {  	_ =	swait.ge [sflag:s25], $0x4000  }
0x22: {  	[sflag:s25] =	ssyncset.done $0x0  }
0x23: {  	[sflag:s25] =	ssyncadd.s32 $0xFFFFC000  }
0x24: {  	[tilespmem:s24], [sflag:$0x5] =	stream.linear.gather [spmem:s12], $0x4000, $0x38;
	[tilespmem:$0x1E800] =	vst v63  }
0x25: {  	_ =	swait.ge [sflag:s25], $0x4000  }
0x26: {  	[sflag:s25] =	ssyncset.done $0x0  }
0x27: {  	[sflag:s25] =	ssyncadd.s32 $0xFFFFC000  }
0x28: {  	[hbm4b:s20+s2] =	stream.linear.scatter [tilespmem:s24], [sflag:$0x5], $0x4000, $0x38;
	[tilespmem:$0x1E800] =	vst v63  }
0x29: {  	_ =	swait.ge [sflag:s25], $0x4000  }
0x2a: {  	[sflag:s25] =	ssyncset.done $0x0  }
0x2b: {  	[sflag:s25] =	ssyncadd.s32 $0xFFFFC000  }
0x2c: {  	[tilespmem:s24], [sflag:$0x5] =	stream.linear.gather [spmem:s14], $0x4000, $0x38;
	[tilespmem:$0x1E800] =	vst v63  }
0x2d: {  	_ =	swait.ge [sflag:s25], $0x4000  }
0x2e: {  	[sflag:s25] =	ssyncset.done $0x0  }
0x2f: {  	[sflag:s25] =	ssyncadd.s32 $0xFFFFC000  }
0x30: {  	[hbm4b:s21+s2] =	stream.linear.scatter [tilespmem:s24], [sflag:$0x5], $0x4000, $0x38;
	[tilespmem:$0x1E800] =	vst v63  }
0x31: {  	_ =	swait.ge [sflag:s25], $0x4000  }
0x32: {  	[sflag:s25] =	ssyncset.done $0x0  }
0x33: {  	[sflag:s25] =	ssyncadd.s32 $0xFFFFC000  }
0x34: {  	[tilespmem:s24], [sflag:$0x5] =	stream.linear.gather [spmem:s16], $0x4000, $0x38;
	[tilespmem:$0x1E800] =	vst v63  }
0x35: {  	_ =	swait.ge [sflag:s25], $0x4000  }
0x36: {  	[sflag:s25] =	ssyncset.done $0x0  }
0x37: {  	[sflag:s25] =	ssyncadd.s32 $0xFFFFC000  }
0x38: {  	[hbm4b:s22+s2] =	stream.linear.scatter [tilespmem:s24], [sflag:$0x5], $0x4000, $0x38;
	[tilespmem:$0x1E800] =	vst v63  }
0x39: {  	_ =	swait.ge [sflag:s25], $0x4000  }
0x3a: {  	[sflag:s25] =	ssyncset.done $0x0  }
0x3b: {  	[sflag:s25] =	ssyncadd.s32 $0xFFFFC000  }
0x3c: {  	[tilespmem:s24], [sflag:$0x5] =	stream.linear.gather [spmem:s18], $0x4000, $0x38;
	[tilespmem:$0x1E800] =	vst v63  }
0x3d: {  	_ =	swait.ge [sflag:s25], $0x4000  }
0x3e: {  	[sflag:s25] =	ssyncset.done $0x0  }
0x3f: {  	[sflag:s25] =	ssyncadd.s32 $0xFFFFC000  }
0x40: {  	[hbm4b:s23+s2] =	stream.linear.scatter [tilespmem:s24], [sflag:$0x5], $0x4000, $0x38;
	[tilespmem:$0x1E800] =	vst v63  }
0x41: {  	_ =	swait.ge [sflag:s25], $0x4000  }
0x42: {  	s11 =	sadd.s32 $0x1, s11;
	s13 =	rddreg [dreg:$0x3]  }
0x43: {  	p0 =	sne.s32 s11, s13  }
.Ltmp1:
0x44: {  	_ = 	snop;
	(pc) =	sbr.rel @!p0 .LBB2_10-.Ltmp1, $3  }
0x45: {  	_ =	sdelay $0x1  }
0x46: {  	[sflag:s25] =	ssyncset.done $0x0  }
0x47: {  	[sflag:s25] =	ssyncadd.s32 $0xFFFFC000  }
.LBB2_1:
0x48: {  	s13 =	rddreg [dreg:$0x4]  }
0x49: {  	[tilespmem:s24], [sflag:$0x5] =	stream.linear.gather [hbm4b:s13+s2], $0x4000, $0x38;
	[tilespmem:$0x1E800] =	vst v63  }
0x4a: {  	_ =	swait.ge [sflag:s25], $0x4000  }
0x4b: {  	[sflag:s25] =	ssyncset.done $0x0  }
0x4c: {  	[sflag:s25] =	ssyncadd.s32 $0xFFFFC000  }
0x4d: {  	[spmem:s8] =	stream.linear.scatter [tilespmem:s24], [sflag:$0x5], $0x4000, $0x38;
	[tilespmem:$0x1E800] =	vst v63  }
0x4e: {  	_ =	swait.ge [sflag:s25], $0x4000  }
0x4f: {  	[sflag:s25] =	ssyncset.done $0x0  }
0x50: {  	s15 =	rddreg [dreg:$0x5];
	[sflag:s25] =	ssyncadd.s32 $0xFFFFC000  }
0x51: {  	[tilespmem:s24], [sflag:$0x5] =	stream.linear.gather [hbm4b:s15+s2], $0x4000, $0x38;
	[tilespmem:$0x1E800] =	vst v63  }
0x52: {  	_ =	swait.ge [sflag:s25], $0x4000  }
0x53: {  	[sflag:s25] =	ssyncset.done $0x0  }
0x54: {  	[sflag:s25] =	ssyncadd.s32 $0xFFFFC000  }
0x55: {  	[spmem:s12] =	stream.linear.scatter [tilespmem:s24], [sflag:$0x5], $0x4000, $0x38;
	[tilespmem:$0x1E800] =	vst v63  }
0x56: {  	_ =	swait.ge [sflag:s25], $0x4000  }
0x57: {  	[sflag:s25] =	ssyncset.done $0x0  }
0x58: {  	s17 =	rddreg [dreg:$0x6];
	[sflag:s25] =	ssyncadd.s32 $0xFFFFC000  }
0x59: {  	[tilespmem:s24], [sflag:$0x5] =	stream.linear.gather [hbm4b:s17+s2], $0x4000, $0x38;
	[tilespmem:$0x1E800] =	vst v63  }
0x5a: {  	_ =	swait.ge [sflag:s25], $0x4000  }
0x5b: {  	[sflag:s25] =	ssyncset.done $0x0  }
0x5c: {  	[sflag:s25] =	ssyncadd.s32 $0xFFFFC000  }
0x5d: {  	[spmem:s14] =	stream.linear.scatter [tilespmem:s24], [sflag:$0x5], $0x4000, $0x38;
	[tilespmem:$0x1E800] =	vst v63  }
0x5e: {  	_ =	swait.ge [sflag:s25], $0x4000  }
0x5f: {  	[sflag:s25] =	ssyncset.done $0x0  }
0x60: {  	s15 =	rddreg [dreg:$0x7];
	[sflag:s25] =	ssyncadd.s32 $0xFFFFC000  }
0x61: {  	[tilespmem:s24], [sflag:$0x5] =	stream.linear.gather [hbm4b:s15+s2], $0x4000, $0x38;
	[tilespmem:$0x1E800] =	vst v63  }
0x62: {  	_ =	swait.ge [sflag:s25], $0x4000  }
0x63: {  	[sflag:s25] =	ssyncset.done $0x0  }
0x64: {  	[sflag:s25] =	ssyncadd.s32 $0xFFFFC000  }
0x65: {  	[spmem:s16] =	stream.linear.scatter [tilespmem:s24], [sflag:$0x5], $0x4000, $0x38;
	[tilespmem:$0x1E800] =	vst v63  }
0x66: {  	_ =	swait.ge [sflag:s25], $0x4000  }
0x67: {  	[sflag:s25] =	ssyncset.done $0x0  }
0x68: {  	s17 =	rddreg [dreg:$0x8];
	[sflag:s25] =	ssyncadd.s32 $0xFFFFC000  }
0x69: {  	[tilespmem:s24], [sflag:$0x5] =	stream.linear.gather [hbm4b:s17+s2], $0x4000, $0x38;
	[tilespmem:$0x1E800] =	vst v63  }
0x6a: {  	_ =	swait.ge [sflag:s25], $0x4000  }
0x6b: {  	[sflag:s25] =	ssyncset.done $0x0  }
0x6c: {  	[sflag:s25] =	ssyncadd.s32 $0xFFFFC000  }
0x6d: {  	[spmem:s18] =	stream.linear.scatter [tilespmem:s24], [sflag:$0x5], $0x4000, $0x38;
	[tilespmem:$0x1E800] =	vst v63  }
.Ltmp2:
0x6e: {  	_ =	swait.ge [sflag:s25], $0x4000;
	(pc) =	sbr.rel .LBB2_2-.Ltmp2, $4  }
0x6f: {  	[sflag:s25] =	ssyncset.done $0x0  }
0x70: {  	[sflag:s25] =	ssyncadd.s32 $0xFFFFC000  }
0x71: {  	[bflag:$0x0] =	sbarrier.arrive $0xFFFF  }
0x72: {  	p1 =	por $0x1, $0x1;
	s13 =	simm.s32 $0x0  }
.LBB2_6:
0x73: {  	s13 =	sadd.s32 $0x1580, s15  }
0x74: {  	[spmem:s1] =	stream.indirect.scatter.add.f32 [tilespmem:s30], [sflag:$0x4], $0x80, s13, s28, $0xb8;
	[tilespmem:$0x1E800] =	vst v63  }
.LBB2_8:
.Ltmp3:
0x75: {  	(pc) =	sbr.rel @!p0 .LBB2_9-.Ltmp3, $4  }
0x76: {  	_ = 	snop  }
0x77: {  	_ =	swait.ge [sflag:s10], $0x4000  }
0x78: {  	[sflag:s10] =	ssyncset.done $0x0  }
0x79: {  	s13 =	simm.s32 $0x28;
	p1 =	por $0x0, $0x0;
	[sflag:s10] =	ssyncadd.s32 $0xFFFFC000  }
.LBB2_2:
0x7a: {  	s13 =	sadd.s32 s7, s13  }
0x7b: {  	s13 =	sshll.u32 s13, $0x4  }
0x7c: {  	s15 =	sadd.s32 s5, s13  }
0x7d: {  	[tilespmem:s2], [sflag:$0x5] =	stream.linear.gather [hbm4b:s15+s2], $0x1400, $0x38;
	[tilespmem:$0x1E800] =	vst v63  }
0x7e: {  	_ =	swait.ge [sflag:s25], $0x1400  }
0x7f: {  	[sflag:s25] =	ssyncset.done $0x0  }
0x80: {  	s13 =	sadd.s32 s6, s13;
	[sflag:s25] =	ssyncadd.s32 $0xFFFFEC00  }
0x81: {  	[tilespmem:s26], [sflag:$0x5] =	stream.linear.gather [hbm4b:s13+s2], $0x1400, $0x38;
	[tilespmem:$0x1E800] =	vst v63  }
0x82: {  	_ =	swait.ge [sflag:s25], $0x1400  }
0x83: {  	[sflag:s25] =	ssyncset.done $0x0  }
0x84: {  	s13 =	simm.s32 $0x70;
	[sflag:s25] =	ssyncadd.s32 $0xFFFFEC00  }
0x85: {  	v3 =	vld [tilespmem:s13+$0xFFFFFF90]  }
0x86: {  	v5 =	vld [tilespmem:s13+$0xFFFFFFA0]  }
0x87: {  	v4 =	vld [tilespmem:s13+$0xFFFFFFB0]  }
0x88: {  	v2 =	vld [tilespmem:s13+$0xFFFFFFC0]  }
0x89: {  	v1 =	vld [tilespmem:s13+$0xFFFFFFD0]  }
0x8a: {  	p0 =	por p1, p1;
	s15 =	simm.s32 $0x3C0;
	v6 =	vadd.s32 v0, v3;
	v3 =	vld [tilespmem:s13+$0xFFFFFFE0]  }
.LBB2_3:
0x8b: {  	p1 =	sne.s32 s15, $0x4FC0;
	[tilespmem:s13+$0xFFFFFF90] =	vst v6;
	v5 =	vadd.s32 v0, v5;
	v6 =	vld [tilespmem:s13+$0x0]  }
0x8c: {  	s17 =	sshra.s32 s15, $0x2;
	[tilespmem:s13+$0xFFFFFFA0] =	vst v5;
	v4 =	vadd.s32 v0, v4;
	v7 =	vld [tilespmem:s13+$0xFFFFFFF0]  }
0x8d: {  	v8 =	vld [tilespmem:s17+$0xFFFFFF90];
	[tilespmem:s13+$0xFFFFFFB0] =	vst v4;
	v2 =	vadd.s32 v0, v2  }
.Ltmp4:
0x8e: {  	v5 =	vld [tilespmem:s17+$0xFFFFFFA0];
	[tilespmem:s13+$0xFFFFFFC0] =	vst v2;
	v1 =	vadd.s32 v0, v1;
	(pc) =	sbr.rel @p1 .LBB2_3-.Ltmp4, $4  }
0x8f: {  	v4 =	vld [tilespmem:s17+$0xFFFFFFB0];
	[tilespmem:s13+$0xFFFFFFD0] =	vst v1;
	v1 =	vadd.s32 v0, v3  }
0x90: {  	v2 =	vld [tilespmem:s17+$0xFFFFFFC0];
	[tilespmem:s13+$0xFFFFFFE0] =	vst v1;
	v3 =	vadd.s32 v0, v6  }
0x91: {  	v1 =	vld [tilespmem:s17+$0xFFFFFFD0];
	v7 =	vadd.s32 v0, v7;
	[tilespmem:s13+$0x0] =	vst v3  }
0x92: {  	s15 =	sadd.s32 $0x200, s15;
	v6 =	vadd.s32 v0, v8;
	v3 =	vld [tilespmem:s17+$0xFFFFFFE0];
	[tilespmem:s13+$0xFFFFFFF0] =	vst v7;
	s13 =	smov.u32 s17  }
0x93: {  	[tilespmem:s13+$0xFFFFFF90] =	vst v6;
	v5 =	vadd.s32 v0, v5;
	v62 =	vld [tilespmem:s13+$0x0]  }
0x94: {  	v63 =	vld [tilespmem:s13+$0xFFFFFFF0];
	[tilespmem:s13+$0xFFFFFFA0] =	vst v5;
	v4 =	vadd.s32 v0, v4  }
0x95: {  	[tilespmem:s13+$0xFFFFFFB0] =	vst v4;
	v2 =	vadd.s32 v0, v2  }
0x96: {  	[tilespmem:s13+$0xFFFFFFC0] =	vst v2;
	v1 =	vadd.s32 v0, v1  }
0x97: {  	[tilespmem:s13+$0xFFFFFFD0] =	vst v1;
	v1 =	vadd.s32 v0, v3  }
0x98: {  	[tilespmem:s13+$0xFFFFFFE0] =	vst v1;
	v1 =	vadd.s32 v0, v62  }
0x99: {  	v2 =	vadd.s32 v0, v63;
	[tilespmem:s13+$0x0] =	vst v1  }
0x9a: {  	[tilespmem:s13+$0xFFFFFFF0] =	vst v2;
	s13 =	simm.s32 $0x0  }
0x9b: {  	[tilespmem:s24], [sflag:$0x1] =	stream.indirect.gather [hbm4b:s4+s28], $0x80, s13, s28, $0xb8;
	[tilespmem:$0x1E800] =	vst v63  }
0x9c: {  	_ =	swait.ge [sflag:s29], $0x4000  }
0x9d: {  	[sflag:s29] =	ssyncset.done $0x0  }
0x9e: {  	[sflag:s29] =	ssyncadd.s32 $0xFFFFC000  }
0x9f: {  	[tilespmem:s30], [sflag:$0x2] =	stream.indirect.gather [hbm4b:s4+s28], $0x80, s28, s28, $0xb8;
	[tilespmem:$0x1E800] =	vst v63  }
0xa0: {  	_ = 	snop  }
0xa1: {  	[spmem:s1] =	stream.indirect.scatter.add.f32 [tilespmem:s24], [sflag:$0x3], $0x80, s26, s28, $0xb8;
	[tilespmem:$0x1E800] =	vst v63  }
0xa2: {  	_ =	swait.ge [sflag:s31], $0x4000  }
0xa3: {  	[sflag:s31] =	ssyncset.done $0x0  }
0xa4: {  	[sflag:s31] =	ssyncadd.s32 $0xFFFFC000  }
0xa5: {  	_ =	swait.ge [sflag:s0], $0x4000  }
0xa6: {  	[sflag:s0] =	ssyncset.done $0x0  }
0xa7: {  	[sflag:s0] =	ssyncadd.s32 $0xFFFFC000  }
0xa8: {  	[tilespmem:s24], [sflag:$0x1] =	stream.indirect.gather [hbm4b:s4+s28], $0x80, s3, s28, $0xb8;
	[tilespmem:$0x1E800] =	vst v63  }
0xa9: {  	_ = 	snop  }
0xaa: {  	[spmem:s1] =	stream.indirect.scatter.add.f32 [tilespmem:s30], [sflag:$0x4], $0x80, s9, s28, $0xb8;
	[tilespmem:$0x1E800] =	vst v63  }
.LBB2_5:
0xab: {  	_ =	swait.ge [sflag:s29], $0x4000  }
0xac: {  	[sflag:s29] =	ssyncset.done $0x0  }
0xad: {  	[sflag:s29] =	ssyncadd.s32 $0xFFFFC000  }
0xae: {  	_ =	swait.ge [sflag:s10], $0x4000  }
0xaf: {  	s15 =	sshra.s32 s13, $0x2;
	[sflag:s10] =	ssyncset.done $0x0  }
0xb0: {  	s17 =	sadd.s32 $0x180, s15;
	[sflag:s10] =	ssyncadd.s32 $0xFFFFC000  }
0xb1: {  	[tilespmem:s30], [sflag:$0x2] =	stream.indirect.gather [hbm4b:s4+s28], $0x80, s17, s28, $0xb8;
	[tilespmem:$0x1E800] =	vst v63  }
0xb2: {  	s17 =	sadd.s32 $0x1500, s15  }
0xb3: {  	[spmem:s1] =	stream.indirect.scatter.add.f32 [tilespmem:s24], [sflag:$0x3], $0x80, s17, s28, $0xb8;
	[tilespmem:$0x1E800] =	vst v63  }
0xb4: {  	p1 =	sne.s32 s13, $0x4800;
	_ =	swait.ge [sflag:s31], $0x4000  }
.Ltmp5:
0xb5: {  	[sflag:s31] =	ssyncset.done $0x0;
	(pc) =	sbr.rel @!p1 .LBB2_6-.Ltmp5, $4  }
0xb6: {  	[sflag:s31] =	ssyncadd.s32 $0xFFFFC000  }
0xb7: {  	_ =	swait.ge [sflag:s0], $0x4000  }
0xb8: {  	[sflag:s0] =	ssyncset.done $0x0  }
0xb9: {  	[sflag:s0] =	ssyncadd.s32 $0xFFFFC000  }
0xba: {  	s13 =	sadd.s32 $0x400, s13  }
0xbb: {  	p1 =	sne.s32 s13, $0x4C00  }
.Ltmp6:
0xbc: {  	_ = 	snop;
	(pc) =	sbr.rel @p1 .LBB2_5-.Ltmp6, $4  }
.Ltmp7:
0xbd: {  	s17 =	sadd.s32 $0x200, s15;
	(pc) =	sbr.rel @!p1 .LBB2_8-.Ltmp7, $4  }
0xbe: {  	[tilespmem:s24], [sflag:$0x1] =	stream.indirect.gather [hbm4b:s4+s28], $0x80, s17, s28, $0xb8;
	[tilespmem:$0x1E800] =	vst v63  }
0xbf: {  	s17 =	sadd.s32 $0x1580, s15  }
0xc0: {  	[spmem:s1] =	stream.indirect.scatter.add.f32 [tilespmem:s30], [sflag:$0x4], $0x80, s17, s28, $0xb8;
	[tilespmem:$0x1E800] =	vst v63  }
0xc1: {  	_ = 	snop  }
.LBB2_10:
0xc2: {  	_ =	sfence.sel $0x180000  }
0xc3: {  	[bflag:$0x0] =	sbarrier.arrive $0xFFFF  }
0xc4: {  	_ =	strace $0x9000004D  }
0xc5: {  	s0 =	stileid.u32;
	[bflag:$0x2] =	sbarrier.arrive $0xFFFF  }
0xc6: {  	p0 =	sne.s32 s0, $0x0;
	s0 =	rddreg [dreg:$0x2]  }
0xc7: {  	s0 =	sadd.s32 @!p0 $0x100000, s0  }
0xc8: {  	[sflag:s0] =	ssyncadd.tile.s32 @!p0 $0x1;
	_ =	shalt  }
.Lfunc_end2:
_tile_overlayer_lowered:
.L_overlay_start_2:
0xc9: {  	(tag) =	ssettag $0x2  }
0xca: {  	s0 =	rddreg [dreg:$0x0];
	s2 =	stileid.u32  }
0xcb: {  	s1 =	rddreg [dreg:$0x1];
	p0 =	sne.s32 s2, $0x0  }
0xcc: {  	s3 =	rddreg [dreg:$0x2];
	[bflag:$0x3] =	sbarrier.arrive $0xFFFF;
	s2 =	simm.s32 @!p0 $0x1C05  }
0xcd: {  	[timem:s3], [sflag:s2] =	dma.local @!p0 [hbm:s0], s1  }
0xce: {  	s0 =	simm.s32 @!p0 $0x5  }
0xcf: {  	_ =	swait.ge @!p0 [sflag:s0], s1  }
0xd0: {  	s1 =	ssub.s32 @!p0 $0x0, s1;
	[sflag:s0] =	ssyncset.done @!p0 $0x0  }
0xd1: {  	[sflag:s0] =	ssyncadd.s32 @!p0 s1  }
0xd2: {  	[bflag:$0x3] =	sbarrier.arrive $0xFFFF  }
0xd3: {  	_ =	shalt  }

// kernel: kernel.8.cloned.1.call-start
scs
__scs_entry_jumppad:
0x0: {  	(pc) =	sbr.rel $0x88, $3  }
0x1: {  	(tag) =	ssettag $0x0;
	lr =	simm.s32 $0x1  }
0x2: {  	[smem:$0x3F96] =	sst lr;
	_ =	strace $0xD0000000  }
0x3: {  	_ = 	snop  }
0x4: {  	_ = 	snop  }
0x5: {  	_ = 	snop  }
0x6: {  	_ = 	snop  }
0x7: {  	_ = 	snop  }
__scs_overlays_trampoline_lowered:
0x8: {  	[smem:$0x3FA5] =	sst s0  }
0x9: {  	[smem:$0x3FA6] =	sst s1  }
0xa: {  	[smem:$0x3FA7] =	sst s2  }
0xb: {  	[smem:$0x3FA8] =	sst s3  }
0xc: {  	[smem:$0x3FA9] =	sst s4  }
0xd: {  	[smem:$0x3FAA] =	sst s5  }
0xe: {  	[smem:$0x3FAB] =	sst s6  }
0xf: {  	[smem:$0x3FAC] =	sst s7  }
0x10: {  	[smem:$0x3FAD] =	sst s8  }
0x11: {  	[smem:$0x3FAE] =	sst s9;
	s0 =	simm.s32 @!p0 $0x0  }
0x12: {  	s1 =	sld [smem:$0x3F94];
	s0 =	simm.s32 @p0 $0x1  }
0x13: {  	[smem:$0x3FAF] =	sst s0;
	s0 =	simm.s32 @!p1 $0x0  }
0x14: {  	s2 =	sld [smem:$0x3F93];
	s0 =	simm.s32 @p1 $0x1  }
0x15: {  	[smem:$0x3FB0] =	sst s0;
	s0 =	simm.s32 @!p2 $0x0  }
0x16: {  	s3 =	sld [smem:$0x3FDB];
	s0 =	simm.s32 @p2 $0x1  }
0x17: {  	s4 =	simm.s32 $0x1BF5;
	[smem:$0x3FB2] =	sst s0  }
0x18: {  	s0 =	sld [smem:$0x3F95];
	_ =	swait.ge [sflag:s4], $0x0  }
0x19: {  	s7 =	sld [smem:$0x3F96]  }
0x1a: {  	s8 =	sadd.s32 $0xFFFFE003, lr  }
0x1b: {  	s9 =	sadd.s32 $0xFFFFFEF7, lr;
	s5 =	simm.s32 $0xFFFFFFFF;
	p2 =	slt.u32 s8, $0xFFFFF086  }
0x1c: {  	p1 =	slt.u32 s9, $0xF7A;
	s5 =	simm.s32 @!p2 $0x0  }
0x1d: {  	s5 =	simm.s32 @p1 $0x1;
	p0 =	seq.s32 s7, s2  }
0x1e: {  	s7 =	smul.u32 @!p0 $0xF7A, s2;
	p2 =	seq.s32 @!p0 s5, $0x0  }
0x1f: {  	s9 =	smul.u32 $0xF7A, s1;
	s8 =	simm.s32 @!p0 $0x1BF5;
	p2 =	por !p2, p0  }
0x20: {  	[sflag:s8] =	ssyncset.s32 @!p0 $0xFFFFF086;
	s6 =	sadd.s32 @!p0 s3, s7;
	s7 =	simm.s32 @!p0 $0x108  }
0x21: {  	s3 =	sadd.s32 s3, s9;
	s6 =	sadd.s32 @!p0 $0x88, s6;
	s7 =	simm.s32 @p2 $0x1082  }
0x22: {  	[simem:s7], [sflag:s8] =	dma.local @!p0 [hbm:s6], $0xF7A  }
0x23: {  	s9 =	sor.u32 $0xD0000000, s2;
	s6 =	simm.s32 $0x108;
	_ =	swait.ge @!p0 [sflag:s8], $0x0  }
0x24: {  	s3 =	sadd.s32 $0x88, s3;
	s6 =	simm.s32 @!p1 $0x1082;
	[sflag:s4] =	ssyncset.s32 $0xFFFFF086  }
0x25: {  	[simem:s6], [sflag:s4] =	dma.local [hbm:s3], $0xF7A  }
0x26: {  	[smem:$0x3F96] =	sst s1;
	(tag) =	ssettag s2;
	_ =	strace s9  }
0x27: {  	s1 =	sld [smem:$0x3FA6]  }
0x28: {  	s2 =	sld [smem:$0x3FA7]  }
0x29: {  	s4 =	sld [smem:$0x3FA9]  }
0x2a: {  	p0 =	seq.s32 s5, $0x0;
	s5 =	sld [smem:$0x3FAA]  }
0x2b: {  	s6 =	sld [smem:$0x3FAB]  }
0x2c: {  	s7 =	sld [smem:$0x3FAC]  }
0x2d: {  	s3 =	simm.s32 $0x108;
	s8 =	sld [smem:$0x3FAD]  }
0x2e: {  	s3 =	simm.s32 @!p0 $0x1082;
	s9 =	sld [smem:$0x3FAE]  }
0x2f: {  	lr =	sadd.s32 s0, s3;
	s0 =	sld [smem:$0x3FA5]  }
0x30: {  	s3 =	sld [smem:$0x3FA8]  }
0x31: {  	[smem:$0x3FB1] =	sst s10  }
0x32: {  	s10 =	sld [smem:$0x3FAF];
	_ =	sdelay $0x3  }
0x33: {  	p0 =	seq.s32 s10, $0x1;
	s10 =	sld [smem:$0x3FB1];
	_ =	sdelay $0x3  }
0x34: {  	[smem:$0x3FB1] =	sst s10  }
0x35: {  	s10 =	sld [smem:$0x3FB0];
	_ =	sdelay $0x3  }
0x36: {  	p1 =	seq.s32 s10, $0x1;
	s10 =	sld [smem:$0x3FB1];
	_ =	sdelay $0x3  }
0x37: {  	[smem:$0x3FB1] =	sst s10  }
0x38: {  	s10 =	sld [smem:$0x3FB2]  }
0x39: {  	_ = 	snop;
	(pc) =	sbr.ind lr, $3  }
0x3a: {  	_ = 	snop  }
0x3b: {  	_ = 	snop  }
0x3c: {  	p2 =	seq.s32 s10, $0x1;
	s10 =	sld [smem:$0x3FB1]  }
0x3d: {  	_ =	shalt  }
0x3e: {  	_ =	shalt  }
0x3f: {  	_ =	shalt  }
0x40: {  	_ =	shalt  }
0x41: {  	_ =	shalt  }
0x42: {  	_ =	shalt  }
0x43: {  	_ =	shalt  }
0x44: {  	_ =	shalt  }
0x45: {  	_ =	shalt  }
0x46: {  	_ =	shalt  }
0x47: {  	_ =	shalt  }
0x48: {  	_ =	shalt  }
0x49: {  	_ =	shalt  }
0x4a: {  	_ =	shalt  }
0x4b: {  	_ =	shalt  }
0x4c: {  	_ =	shalt  }
0x4d: {  	_ =	shalt  }
0x4e: {  	_ =	shalt  }
0x4f: {  	_ =	shalt  }
0x50: {  	_ =	shalt  }
0x51: {  	_ =	shalt  }
0x52: {  	_ =	shalt  }
0x53: {  	_ =	shalt  }
0x54: {  	_ =	shalt  }
0x55: {  	_ =	shalt  }
0x56: {  	_ =	shalt  }
0x57: {  	_ =	shalt  }
0x58: {  	_ =	shalt  }
0x59: {  	_ =	shalt  }
0x5a: {  	_ =	shalt  }
0x5b: {  	_ =	shalt  }
0x5c: {  	_ =	shalt  }
0x5d: {  	_ =	shalt  }
0x5e: {  	_ =	shalt  }
0x5f: {  	_ =	shalt  }
0x60: {  	_ =	shalt  }
0x61: {  	_ =	shalt  }
0x62: {  	_ =	shalt  }
0x63: {  	_ =	shalt  }
0x64: {  	_ =	shalt  }
0x65: {  	_ =	shalt  }
0x66: {  	_ =	shalt  }
0x67: {  	_ =	shalt  }
0x68: {  	_ =	shalt  }
0x69: {  	_ =	shalt  }
0x6a: {  	_ =	shalt  }
0x6b: {  	_ =	shalt  }
0x6c: {  	_ =	shalt  }
0x6d: {  	_ =	shalt  }
0x6e: {  	_ =	shalt  }
0x6f: {  	_ =	shalt  }
0x70: {  	_ =	shalt  }
0x71: {  	_ =	shalt  }
0x72: {  	_ =	shalt  }
0x73: {  	_ =	shalt  }
0x74: {  	_ =	shalt  }
0x75: {  	_ =	shalt  }
0x76: {  	_ =	shalt  }
0x77: {  	_ =	shalt  }
0x78: {  	_ =	shalt  }
0x79: {  	_ =	shalt  }
0x7a: {  	_ =	shalt  }
0x7b: {  	_ =	shalt  }
0x7c: {  	_ =	shalt  }
0x7d: {  	_ =	shalt  }
0x7e: {  	_ =	shalt  }
0x7f: {  	_ =	shalt  }
0x80: {  	_ =	shalt  }
0x81: {  	_ =	shalt  }
0x82: {  	_ =	shalt  }
0x83: {  	_ =	shalt  }
0x84: {  	_ =	shalt  }
0x85: {  	_ =	shalt  }
0x86: {  	_ =	shalt  }
0x87: {  	_ =	shalt  }
.Lfunc_end0:
.L_simem_size_0:
called_computation_lowered:
.L_overlay_start_0:
0x88: {  	s2 =	sld [smem:$0x3FD9]  }
0x89: {  	s3 =	sld [smem:$0x3FFE];
	_ =	sdelay $0x1  }
0x8a: {  	s1 =	srdreg.scid  }
0x8b: {  	s0 =	sand.u32 $0x1, s1  }
0x8c: {  	s16 =	sshll.u32 s0, $0xA;
	s2 =	sadd.s32 s3, s2  }
0x8d: {  	s2 =	sadd.s32 s2, s16  }
0x8e: {  	[smem:$0x3FBD] =	sst s2  }
0x8f: {  	_ = 	snop  }
0x90: {  	(tm) =	ssettm $0x1  }
0x91: {  	s17 =	sld [smem:$0x3FFB];
	_ =	sdelay $0x3  }
0x92: {  	_ =	strace s17  }
0x93: {  	s2 =	sld [smem:$0x3FFC];
	_ =	sdelay $0x3  }
0x94: {  	_ =	strace s2  }
0x95: {  	s2 =	sld [smem:$0x3FFD];
	_ =	sdelay $0x3  }
0x96: {  	_ =	strace s2  }
0x97: {  	_ =	strace $0x8FFFFFFF  }
0x98: {  	s18 =	sld [smem:$0x3FDB];
	_ =	sdelay $0x1  }
0x99: {  	s19 =	simm.s32 $_scs_section_size  }
0x9a: {  	s4 =	simm.s32 $_size__tile_overlayer_lowered;
	s5 =	simm.s32 $_tile_overlayer_lowered  }
0x9b: {  	s22 =	simm.s32 $0x1BFF;
	s21 =	sshll.u32 s5, $0x1;
	s2 =	sadd.s32 s19, s18  }
0x9c: {  	s6 =	simm.s32 $0x0;
	s20 =	sshll.u32 s4, $0x1;
	s4 =	sadd.s32 s21, s2  }
0x9d: {  	[timem:s6], [sflag:s22] =	dma.local [hbm:s4], s20  }
0x9e: {  	_ =	swait.ge [sflag:s22], s20  }
0x9f: {  	s3 =	ssub.s32 $0x0, s20;
	[sflag:s22] =	ssyncset.done $0x0  }
0xa0: {  	[sflag:s22] =	ssyncadd.s32 s3;
	_ =	sdelay $0x1  }
0xa1: {  	s23 =	simm.s32 $0x1B8B  }
0xa2: {  	_ =	swait.ge [sflag:s23], $0x1  }
0xa3: {  	[sflag:s23] =	ssyncset.done $0x0  }
0xa4: {  	s25 =	simm.s32 $0x1B8E;
	s24 =	sld [smem:$0x3FFE];
	[sflag:s23] =	ssyncadd.s32 $0xFFFFFFFF  }
0xa5: {  	s26 =	simm.s32 $execute0_lowered;
	[smem:$0x3FD2] =	sst s25  }
0xa6: {  	s4 =	sshll.u32 s26, $0x1;
	_ =	strace $0x80000046;
	[dreg:$0x1] =	wrdreg $0xFFFFFFFF  }
0xa7: {  	s28 =	simm.s32 $_size_execute0_lowered;
	s2 =	sadd.s32 s2, s4;
	[dreg:$0x0] =	wrdreg $0x0  }
0xa8: {  	s4 =	sshll.u32 s28, $0x1;
	[dreg:$0x2] =	wrdreg s2  }
0xa9: {  	[dreg:$0x3] =	wrdreg s4  }
0xaa: {  	[dreg:$0x4] =	wrdreg $0xC0  }
0xab: {  	_ =	task [dreg:s6], $0x5FFFF  }
0xac: {  	[dreg:$0x1] =	wrdreg $0xFFFFFFFF  }
0xad: {  	[dreg:$0x0] =	wrdreg $0x60  }
0xae: {  	[dreg:$0x2] =	wrdreg s24  }
0xaf: {  	[dreg:$0x3] =	wrdreg $0x51800  }
0xb0: {  	[dreg:$0x4] =	wrdreg $0x9  }
0xb1: {  	_ =	task.clear_ibuf [dreg:s6], $0x5FFFF;
	_ =	strace $0x90000046  }
0xb2: {  	s29 =	simm.s32 $0x9;
	_ =	strace $0x80000048  }
0xb3: {  	_ =	swait.ge [sflag:s29], $0x1  }
0xb4: {  	[sflag:s29] =	ssyncadd.s32 $0xFFFFFFFF  }
0xb5: {  	_ =	strace $0x90000048  }
0xb6: {  	_ =	sfence  }
0xb7: {  	s30 =	sld [smem:$0x0];
	_ =	sdelay $0x2  }
0xb8: {  	s31 =	sshll.u32 s1, $0xD;
	s1 =	sshrl.u32 s1, $0x2  }
0xb9: {  	s3 =	sand.u32 $0x4000, s31;
	s1 =	sadd.s32 s1, s30  }
0xba: {  	s0 =	sor.u32 s3, s0;
	s1 =	sshll.u32 s1, $0x11  }
0xbb: {  	s0 =	sor.u32 s1, s0  }
0xbc: {  	s0 =	sadd.s32 $0x8F2B, s0  }
0xbd: {  	[sflag:s0] =	ssyncadd.remote.s32 $0x1  }
0xbe: {  	_ =	sfence.sel $0xFFFF  }
0xbf: {  	[dreg:$0x0] =	wrdreg $0xFFFFFFFF;
	(pc) =	sbr.abs _section_cstart, $3  }
0xc0: {  	[dreg:$0x1] =	wrdreg $0xFFFFFFFF  }
0xc1: {  	_ =	task.clear_ibuf [dreg:s6], $0x2FFFF;
	_ =	strace $0x9FFFFFFF  }
0xc2: {  	(tm) =	ssettm $0x7FFFFFFF  }
0xc3: {  	_ =	shalt  }
tec
execute0_lowered:
.L_overlay_start_1:
0x0: {  	(tag) =	ssettag $0x1  }
0x1: {  	s0 =	srdreg.scid  }
0x2: {  	s4 =	rddreg [dreg:$0x0];
	s11 =	stileid.u32  }
0x3: {  	s1 =	rddreg [dreg:$0x1];
	s2 =	simm.s32 $0x0;
	s9 =	simm.s32 $0x80  }
0x4: {  	s10 =	simm.s32 $0x2800;
	s3 =	sand.u32 $0x1, s0;
	[smem:$0x7FF] =	sst s2  }
0x5: {  	s7 =	smul.u32 $0xA40, s11;
	p0 =	sne.s32 s11, $0x0;
	s0 =	sshll.u32 s3, $0x4  }
0x6: {  	s6 =	smul.u32 $0x520, s3;
	s3 =	ssub.s32 $0x2, s3;
	s5 =	sor.u32 s11, s0  }
0x7: {  	s0 =	rddreg [dreg:$0x2];
	_ =	strace $0x80000047;
	s5 =	smul.u32 $0x500, s5  }
0x8: {  	s30 =	sshrl.u32 s3, $0x1;
	s31 =	sshrl.u32 s7, $0x2;
	s7 =	simm.s32 $0x1  }
0x9: {  	s11 =	simm.s32 $0x0;
	s6 =	sadd.s32 s6, s4;
	s5 =	sadd.s32 s5, s4  }
0xa: {  	s8 =	ssub.s32 s3, s30;
	s4 =	sadd.s32 s31, s1;
	s3 =	sadd.s32 $0x2800, s5  }
0xb: {  	v0 =	vimm.f32 $0.0e+00;
	v1 =	vimm.f32 $1.000000000e+00;
	s5 =	sadd.s32 $0x16800, s6;
	s6 =	smax.u32 s8, $0x1;
	s8 =	simm.s32 $0x2880  }
.LBB2_1:
0xc: {  	[tilespmem:s2], [sflag:$0x1] =	stream.linear.gather [hbm4b:s3+s2], $0x2800, $0x38;
	[tilespmem:$0x5410] =	vst v63  }
0xd: {  	_ =	swait.ge [sflag:s7], $0x2800  }
0xe: {  	[sflag:s7] =	ssyncset.done $0x0  }
0xf: {  	s12 =	simm.s32 $0x40;
	s13 =	simm.s32 $0x0;
	[sflag:s7] =	ssyncadd.s32 $0xFFFFD800  }
.LBB2_2:
0x10: {  	p1 =	sne.s32 s12, $0xA3C0;
	[tilespmem:s13+$0x2880] =	vst v0;
	s13 =	smov.u32 s12;
	s12 =	sadd.s32 $0x40, s12  }
.Ltmp0:
0x11: {  	(pc) =	sbr.rel @p1 .LBB2_2-.Ltmp0, $2  }
0x12: {  	_ =	sdelay $0x2  }
0x13: {  	s13 =	sshra.s32 s13, $0x2  }
0x14: {  	[tilespmem:s13+$0x2880] =	vst v0  }
0x15: {  	[tilespmem:$0x2800] =	vst v1  }
0x16: {  	[tilespmem:$0x2810] =	vst v1  }
0x17: {  	[tilespmem:$0x2820] =	vst v1  }
0x18: {  	[tilespmem:$0x2830] =	vst v1  }
0x19: {  	[tilespmem:$0x2840] =	vst v1  }
0x1a: {  	[tilespmem:$0x2850] =	vst v1  }
0x1b: {  	[tilespmem:$0x2860] =	vst v1  }
0x1c: {  	[tilespmem:$0x2870] =	vst v1  }
0x1d: {  	[spmem:s4] =	stream.linear.scatter [tilespmem:s8], [sflag:$0x1], $0x290, $0x38;
	[tilespmem:$0x5410] =	vst v63  }
0x1e: {  	_ =	swait.ge [sflag:s7], $0x290  }
0x1f: {  	[sflag:s7] =	ssyncset.done $0x0  }
0x20: {  	[sflag:s7] =	ssyncadd.s32 $0xFFFFFD70  }
0x21: {  	s12 =	simm.s32 $0x0;
	[bflag:$0x0] =	sbarrier.arrive $0xFFFF  }
0x22: {  	[spmem:s1] =	stream.indirect.scatter.add.f32 [tilespmem:s10], [sflag:$0x1], $0x1, s12, s9, $0xb8;
	[tilespmem:$0x5410] =	vst v63  }
0x23: {  	_ =	swait.ge [sflag:s7], $0x80  }
0x24: {  	s12 =	simm.s32 $0x200;
	[sflag:s7] =	ssyncset.done $0x0  }
.LBB2_4:
0x25: {  	s13 =	sshra.s32 s12, $0x2;
	[sflag:s7] =	ssyncadd.s32 $0xFFFFFF80;
	p1 =	sne.s32 s12, $0x9E00  }
0x26: {  	[spmem:s1] =	stream.indirect.scatter.add.f32 [tilespmem:s10], [sflag:$0x1], $0x1, s13, s9, $0xb8;
	[tilespmem:$0x5410] =	vst v63  }
.Ltmp1:
0x27: {  	_ = 	snop;
	(pc) =	sbr.rel @p1 .LBB2_4-.Ltmp1, $4  }
0x28: {  	_ = 	snop  }
0x29: {  	s12 =	sadd.s32 $0x200, s12  }
0x2a: {  	_ =	swait.ge [sflag:s7], $0x80  }
0x2b: {  	[sflag:s7] =	ssyncset.done $0x0  }
0x2c: {  	[sflag:s7] =	ssyncadd.s32 $0xFFFFFF80  }
0x2d: {  	s12 =	simm.s32 @!p0 $0x2880;
	s13 =	simm.s32 @!p0 $0x1;
	[bflag:$0x0] =	sbarrier.arrive $0xFFFF  }
0x2e: {  	[tilespmem:s12], [sflag:$0x1] =	stream.linear.gather @!p0 [spmem:s1], $0x2900, $0x38;
	[tilespmem:$0x5410] =	vst v63  }
0x2f: {  	s11 =	sadd.s32 $0x1, s11;
	_ =	swait.ge @!p0 [sflag:s13], $0x2900  }
0x30: {  	p1 =	sne.s32 s11, s6;
	[sflag:s13] =	ssyncset.done @!p0 $0x0  }
.Ltmp2:
0x31: {  	s14 =	simm.s32 @!p0 $0x0;
	[sflag:s13] =	ssyncadd.s32 @!p0 $0xFFFFD700;
	(pc) =	sbr.rel @p1 .LBB2_1-.Ltmp2, $4  }
0x32: {  	[hbm4b:s5+s14] =	stream.linear.scatter @!p0 [tilespmem:s12], [sflag:$0x1], $0x2900, $0x38;
	[tilespmem:$0x5410] =	vst v63  }
0x33: {  	_ =	swait.ge @!p0 [sflag:s13], $0x2900  }
0x34: {  	[sflag:s13] =	ssyncset.done @!p0 $0x0  }
0x35: {  	[sflag:s13] =	ssyncadd.s32 @!p0 $0xFFFFD700  }
0x36: {  	_ =	sfence.sel $0x180000  }
0x37: {  	[bflag:$0x0] =	sbarrier.arrive $0xFFFF  }
0x38: {  	_ =	strace $0x90000047  }
0x39: {  	s0 =	sadd.s32 @!p0 $0x100000, s0;
	[bflag:$0x2] =	sbarrier.arrive $0xFFFF  }
0x3a: {  	[sflag:s0] =	ssyncadd.tile.s32 @!p0 $0x1;
	_ =	shalt  }
.Lfunc_end2:
_tile_overlayer_lowered:
.L_overlay_start_2:
0x3b: {  	(tag) =	ssettag $0x2  }
0x3c: {  	s0 =	rddreg [dreg:$0x0];
	s2 =	stileid.u32  }
0x3d: {  	s1 =	rddreg [dreg:$0x1];
	p0 =	sne.s32 s2, $0x0  }
0x3e: {  	s3 =	rddreg [dreg:$0x2];
	[bflag:$0x3] =	sbarrier.arrive $0xFFFF;
	s2 =	simm.s32 @!p0 $0x1C01  }
0x3f: {  	[timem:s3], [sflag:s2] =	dma.local @!p0 [hbm:s0], s1  }
0x40: {  	s0 =	simm.s32 @!p0 $0x1  }
0x41: {  	_ =	swait.ge @!p0 [sflag:s0], s1  }
0x42: {  	s1 =	ssub.s32 @!p0 $0x0, s1;
	[sflag:s0] =	ssyncset.done @!p0 $0x0  }
0x43: {  	[sflag:s0] =	ssyncadd.s32 @!p0 s1  }
0x44: {  	[bflag:$0x3] =	sbarrier.arrive $0xFFFF  }
0x45: {  	_ =	shalt  }

</sc_bundles>
